<compile_context>
chip_gen: v7x
topology: tpu7x:2x2x1
jax: 0.10.2.dev20260603
libtpu: 0.0.44.dev20260713+nightly
codegen_flags: <defaults>
</compile_context>

<pallas_src>
import functools

import jax
import jax.numpy as jnp
from jax import lax
from jax.experimental import pallas as pl
from jax.experimental.pallas import tpu as pltpu
from jax.experimental.pallas import tpu_sc as plsc

B = 16384
D = 2048
NROWS = 12
L = 16
NC = 2
NS = 16
NW = NC * NS
B_PER_W = B // NW
C = 8
NCHUNK = B_PER_W // C
NBUF = 4
LOOKAHEAD = 3


def _sc_add_lookup(noise, ids, table):
    mesh = plsc.VectorSubcoreMesh(core_axis_name="c", subcore_axis_name="s")

    @functools.partial(
        pl.kernel,
        out_type=jax.ShapeDtypeStruct((B, D), jnp.float32),
        mesh=mesh,
        compiler_params=pltpu.CompilerParams(needs_layout_passes=False),
        scratch_types=[
            pltpu.VMEM((B_PER_W,), jnp.int32),
            pltpu.VMEM((NROWS, D), jnp.float32),
            [pltpu.VMEM((C, D), jnp.float32) for _ in range(NBUF)],
            [pltpu.SemaphoreType.DMA for _ in range(NBUF)],
            [pltpu.SemaphoreType.DMA for _ in range(NBUF)],
        ],
    )
    def k(noise_hbm, ids_hbm, table_hbm, out_hbm, idx_v, table_v, bufs,
          sems_in, sems_out):
        wid = lax.axis_index("s") * NC + lax.axis_index("c")
        base = wid * B_PER_W
        iota = lax.iota(jnp.int32, L)

        def start_in(g, b):
            pltpu.async_copy(noise_hbm.at[pl.ds(base + g * C, C)], bufs[b],
                             sems_in[b])

        def wait_in(b):
            pltpu.make_async_copy(noise_hbm.at[pl.ds(base, C)], bufs[b],
                                  sems_in[b]).wait()

        def start_out(g, b):
            pltpu.async_copy(bufs[b], out_hbm.at[pl.ds(base + g * C, C)],
                             sems_out[b])

        def wait_out(b):
            pltpu.make_async_copy(bufs[b], out_hbm.at[pl.ds(base, C)],
                                  sems_out[b]).wait()

        for b in range(LOOKAHEAD):
            start_in(b, b)
        pltpu.sync_copy(ids_hbm.at[pl.ds(base, B_PER_W)], idx_v)
        pltpu.sync_copy(table_hbm, table_v)

        def accumulate(buf, g):
            idvec = idx_v[pl.ds(lax.div(g, L // C) * L, L)]
            lane0 = lax.rem(g, L // C) * C
            rids = [jnp.max(jnp.where(iota == lane0 + r, idvec, 0))
                    for r in range(C)]

            @plsc.parallel_loop(0, D // L, 1, unroll=2)
            def _(j):
                for r in range(C):
                    tbl = table_v[rids[r], pl.ds(j * L, L)]
                    plsc.addupdate(buf.at[r, pl.ds(j * L, L)], tbl)

        def round_body(p, carry):
            for b in range(NBUF):
                g = p * NBUF + b
                wait_in(b)
                accumulate(bufs[b], g)
                start_out(g, b)
                bnext = (b + LOOKAHEAD) % NBUF

                @pl.when(g + LOOKAHEAD < NCHUNK)
                def _(g=g, bnext=bnext):
                    @pl.when(g >= NBUF - LOOKAHEAD)
                    def _():
                        wait_out(bnext)

                    start_in(g + LOOKAHEAD, bnext)

            return carry

        lax.fori_loop(0, NCHUNK // NBUF, round_body, 0)

        for g in range(NCHUNK - NBUF, NCHUNK):
            wait_out(g % NBUF)

    return k(noise, ids, table)


def kernel(noise_embedding, principle_ids, table):
    ids32 = principle_ids.astype(jnp.int32)
    out = _sc_add_lookup(noise_embedding, ids32, table)
    return (out, principle_ids)

# --- scband reference (transcript-rebuilt; emitter-appended) ---
"""Pipeline reference for scband-constitutional-conditioner-2319282340168 (READ-ONLY COPY).

The authoritative reference and input builder live on the scoring server;
editing this copy changes nothing except your own understanding.
"""

import jax, jax.numpy as jnp
import numpy as np

B = 16384
D = 2048
NUM_PRINCIPLES = 12

def setup_inputs(seed: int = 0) -> dict:
    key = jax.random.key(seed)
    k1, k2, k3 = jax.random.split(key, 3)
    noise_embedding = jax.random.normal(k1, (B, D), dtype=jnp.float32)
    principle_ids = jax.random.randint(k2, (B,), 0, NUM_PRINCIPLES, dtype=jnp.int64 if jax.config.jax_enable_x64 else jnp.int32)
    # embedding table, init normal(0, 0.02) as in the torch module
    table = jax.random.normal(k3, (NUM_PRINCIPLES, D), dtype=jnp.float32) * 0.02
    return {"noise_embedding": noise_embedding, "principle_ids": principle_ids, "table": table}

def reference(noise_embedding, principle_ids, table):
    # get_conditioning: embedding lookup (proj is Identity since embed_dim == hidden_dim)
    conditioning = jnp.take(table, principle_ids, axis=0)
    conditioned_emb = noise_embedding + conditioning
    return (conditioned_emb, principle_ids)

if __name__ == "__main__":
    import jax
    _d = setup_inputs()
    print(jax.jit(kernel)(*tuple(_d.values())))

</pallas_src>

<mosaic_0001>
#map = affine_map<(d0, d1) -> (0, 0)>
#map1 = affine_map<(d0, d1) -> (0)>
module attributes {stable_mosaic.version = 14 : i64} {
  func.func @k(%arg0: i32, %arg1: i32, %arg2: memref<16384x2048xf32, #tpu.memory_space<hbm>>, %arg3: memref<16384xi32, #tpu.memory_space<hbm>>, %arg4: memref<12x2048xf32, #tpu.memory_space<hbm>>, %arg5: memref<16384x2048xf32, #tpu.memory_space<hbm>>, %arg6: memref<512xi32, #tpu.memory_space<vmem>>, %arg7: memref<12x2048xf32, #tpu.memory_space<vmem>>, %arg8: memref<8x2048xf32, #tpu.memory_space<vmem>>, %arg9: memref<8x2048xf32, #tpu.memory_space<vmem>>, %arg10: memref<8x2048xf32, #tpu.memory_space<vmem>>, %arg11: memref<8x2048xf32, #tpu.memory_space<vmem>>, %arg12: memref<!tpu.dma_semaphore, #tpu.memory_space<semaphore_mem>>, %arg13: memref<!tpu.dma_semaphore, #tpu.memory_space<semaphore_mem>>, %arg14: memref<!tpu.dma_semaphore, #tpu.memory_space<semaphore_mem>>, %arg15: memref<!tpu.dma_semaphore, #tpu.memory_space<semaphore_mem>>, %arg16: memref<!tpu.dma_semaphore, #tpu.memory_space<semaphore_mem>>, %arg17: memref<!tpu.dma_semaphore, #tpu.memory_space<semaphore_mem>>, %arg18: memref<!tpu.dma_semaphore, #tpu.memory_space<semaphore_mem>>, %arg19: memref<!tpu.dma_semaphore, #tpu.memory_space<semaphore_mem>>) attributes {dimension_semantics = [#tpu.dimension_semantics<core_parallel>, #tpu.dimension_semantics<subcore_parallel>], iteration_bounds = array<i64: 2, 16>, scalar_prefetch = 0 : i64, scratch_operands = 14 : i64, tpu.core_type = #tpu.core_type<sc_vector_subcore>, window_params = [{transform_indices = #map}, {transform_indices = #map1}, {transform_indices = #map}, {transform_indices = #map}]} {
    %mul3A = arith.constant 2 : i32
    %mul3A_0 = arith.muli %arg1, %mul3A : i32
    %add3A = arith.addi %mul3A_0, %arg0 : i32
    %mul3A_1 = arith.constant 512 : i32
    %mul3A_2 = arith.muli %add3A, %mul3A_1 : i32
    %iota3A = tpu.iota {dimensions = array<i32: 0>} : vector<16xi32>
    %add3A_3 = arith.constant 0 : i32
    %add3A_4 = arith.addi %mul3A_2, %add3A_3 : i32
    %dma_start3A = arith.constant 0 : i32
    %dma_start3A_5 = tpu.memref_slice %arg2[%add3A_4, %dma_start3A] : memref<16384x2048xf32, #tpu.memory_space<hbm>> -> memref<8x2048xf32, #tpu.memory_space<hbm>>
    %dma_start3A_6 = arith.constant 0 : i32
    %dma_start3A_7 = tpu.memref_slice %arg2[%add3A_4, %dma_start3A_6] : memref<16384x2048xf32, #tpu.memory_space<hbm>> -> memref<8x2048xf32, #tpu.memory_space<hbm>>
    tpu.enqueue_dma source(%dma_start3A_7 : memref<8x2048xf32, #tpu.memory_space<hbm>>) target(%arg8 : memref<8x2048xf32, #tpu.memory_space<vmem>>) target_semaphore(%arg12 : memref<!tpu.dma_semaphore, #tpu.memory_space<semaphore_mem>>)
    %add3A_8 = arith.constant 8 : i32
    %add3A_9 = arith.addi %mul3A_2, %add3A_8 : i32
    %dma_start3A_10 = arith.constant 0 : i32
    %dma_start3A_11 = tpu.memref_slice %arg2[%add3A_9, %dma_start3A_10] : memref<16384x2048xf32, #tpu.memory_space<hbm>> -> memref<8x2048xf32, #tpu.memory_space<hbm>>
    %dma_start3A_12 = arith.constant 0 : i32
    %dma_start3A_13 = tpu.memref_slice %arg2[%add3A_9, %dma_start3A_12] : memref<16384x2048xf32, #tpu.memory_space<hbm>> -> memref<8x2048xf32, #tpu.memory_space<hbm>>
    tpu.enqueue_dma source(%dma_start3A_13 : memref<8x2048xf32, #tpu.memory_space<hbm>>) target(%arg9 : memref<8x2048xf32, #tpu.memory_space<vmem>>) target_semaphore(%arg13 : memref<!tpu.dma_semaphore, #tpu.memory_space<semaphore_mem>>)
    %add3A_14 = arith.constant 16 : i32
    %add3A_15 = arith.addi %mul3A_2, %add3A_14 : i32
    %dma_start3A_16 = arith.constant 0 : i32
    %dma_start3A_17 = tpu.memref_slice %arg2[%add3A_15, %dma_start3A_16] : memref<16384x2048xf32, #tpu.memory_space<hbm>> -> memref<8x2048xf32, #tpu.memory_space<hbm>>
    %dma_start3A_18 = arith.constant 0 : i32
    %dma_start3A_19 = tpu.memref_slice %arg2[%add3A_15, %dma_start3A_18] : memref<16384x2048xf32, #tpu.memory_space<hbm>> -> memref<8x2048xf32, #tpu.memory_space<hbm>>
    tpu.enqueue_dma source(%dma_start3A_19 : memref<8x2048xf32, #tpu.memory_space<hbm>>) target(%arg10 : memref<8x2048xf32, #tpu.memory_space<vmem>>) target_semaphore(%arg14 : memref<!tpu.dma_semaphore, #tpu.memory_space<semaphore_mem>>)
    "tpu.region"() ({
      %run_scoped3A = tpu.sem_alloc : memref<!tpu.dma_semaphore, #tpu.memory_space<semaphore_mem>>
      %dma_start3A_40 = tpu.memref_slice %arg3[%mul3A_2] : memref<16384xi32, #tpu.memory_space<hbm>> -> memref<512xi32, #tpu.memory_space<hbm>>
      %dma_start3A_41 = tpu.memref_slice %arg3[%mul3A_2] : memref<16384xi32, #tpu.memory_space<hbm>> -> memref<512xi32, #tpu.memory_space<hbm>>
      tpu.enqueue_dma source(%dma_start3A_41 : memref<512xi32, #tpu.memory_space<hbm>>) target(%arg6 : memref<512xi32, #tpu.memory_space<vmem>>) target_semaphore(%run_scoped3A : memref<!tpu.dma_semaphore, #tpu.memory_space<semaphore_mem>>)
      %dma_wait3A_42 = tpu.memref_slice %arg3[%mul3A_2] : memref<16384xi32, #tpu.memory_space<hbm>> -> memref<512xi32, #tpu.memory_space<hbm>>
      %dma_wait3A_43 = tpu.memref_slice %arg3[%mul3A_2] : memref<16384xi32, #tpu.memory_space<hbm>> -> memref<512xi32, #tpu.memory_space<hbm>>
      tpu.wait_dma2 semaphore(%run_scoped3A : memref<!tpu.dma_semaphore, #tpu.memory_space<semaphore_mem>>) src(%dma_wait3A_43 : memref<512xi32, #tpu.memory_space<hbm>>) dst(%arg6 : memref<512xi32, #tpu.memory_space<vmem>>)
      tpu.yield
    }) : () -> ()
    "tpu.region"() ({
      %run_scoped3A = tpu.sem_alloc : memref<!tpu.dma_semaphore, #tpu.memory_space<semaphore_mem>>
      tpu.enqueue_dma source(%arg4 : memref<12x2048xf32, #tpu.memory_space<hbm>>) target(%arg7 : memref<12x2048xf32, #tpu.memory_space<vmem>>) target_semaphore(%run_scoped3A : memref<!tpu.dma_semaphore, #tpu.memory_space<semaphore_mem>>)
      tpu.wait_dma2 semaphore(%run_scoped3A : memref<!tpu.dma_semaphore, #tpu.memory_space<semaphore_mem>>) src(%arg4 : memref<12x2048xf32, #tpu.memory_space<hbm>>) dst(%arg7 : memref<12x2048xf32, #tpu.memory_space<vmem>>)
      tpu.yield
    }) : () -> ()
    %scan3A = arith.constant 0 : i32
    %scan3A_20 = arith.constant 0 : i32
    %scan3A_21 = arith.constant 16 : i32
    %scan3A_22 = arith.addi %scan3A_20, %scan3A_21 : i32
    %scan3A_23 = arith.constant 1 : i32
    scf.for %scan3A_40 = %scan3A_20 to %scan3A_22 step %scan3A_23  : i32 {
      %mul3A_41 = arith.constant 4 : i32
      %mul3A_42 = arith.muli %scan3A_40, %mul3A_41 : i32
      %add3A_43 = arith.constant 0 : i32
      %add3A_44 = arith.addi %mul3A_42, %add3A_43 : i32
      %dma_wait3A_45 = arith.constant 0 : i32
      %dma_wait3A_46 = tpu.memref_slice %arg2[%mul3A_2, %dma_wait3A_45] : memref<16384x2048xf32, #tpu.memory_space<hbm>> -> memref<8x2048xf32, #tpu.memory_space<hbm>>
      %dma_wait3A_47 = arith.constant 0 : i32
      %dma_wait3A_48 = tpu.memref_slice %arg2[%mul3A_2, %dma_wait3A_47] : memref<16384x2048xf32, #tpu.memory_space<hbm>> -> memref<8x2048xf32, #tpu.memory_space<hbm>>
      tpu.wait_dma2 semaphore(%arg12 : memref<!tpu.dma_semaphore, #tpu.memory_space<semaphore_mem>>) src(%dma_wait3A_48 : memref<8x2048xf32, #tpu.memory_space<hbm>>) dst(%arg8 : memref<8x2048xf32, #tpu.memory_space<vmem>>)
      %div3A = arith.constant 2 : i32
      %div3A_49 = arith.divsi %add3A_44, %div3A : i32
      %mul3A_50 = arith.constant 16 : i32
      %mul3A_51 = arith.muli %div3A_49, %mul3A_50 : i32
      %get3A = arith.index_cast %mul3A_51 : i32 to index
      %get3A_52 = tpu.vector_load %arg6[%get3A] {strides = array<i32>} : memref<512xi32, #tpu.memory_space<vmem>>, vector<16xi32>,
      %rem3A = arith.constant 2 : i32
      %rem3A_53 = arith.remsi %add3A_44, %rem3A : i32
      %mul3A_54 = arith.constant 8 : i32
      %mul3A_55 = arith.muli %rem3A_53, %mul3A_54 : i32
      %add3A_56 = arith.constant 0 : i32
      %add3A_57 = arith.addi %mul3A_55, %add3A_56 : i32
      %eq3A = vector.broadcast %add3A_57 : i32 to vector<16xi32>
      %eq3A_58 = arith.cmpi eq, %iota3A, %eq3A : vector<16xi32>
      %jit3A = arith.constant 0 : i32
      %broadcast_in_dim3A = vector.broadcast %jit3A : i32 to vector<16xi32>
      %select_n3A = arith.select %eq3A_58, %get3A_52, %broadcast_in_dim3A : vector<16xi1>, vector<16xi32>
      %reduce_max3A = arith.constant true
      %reduce_max3A_59 = vector.broadcast %reduce_max3A : i1 to vector<16xi1>
      %reduce_max3A_60 = arith.constant -2147483648 : i32
      %reduce_max3A_61 = vector.broadcast %reduce_max3A_60 : i32 to vector<16xi32>
      %reduce_max3A_62 = arith.xori %select_n3A, %reduce_max3A_61 : vector<16xi32>
      %reduce_max3A_63 = tpu.scan <max>, %reduce_max3A_62 masked %reduce_max3A_59 : vector<16xi32>, vector<16xi1> -> vector<16xi32>
      %reduce_max3A_64 = arith.xori %reduce_max3A_63, %reduce_max3A_61 : vector<16xi32>
      %reduce_max3A_65 = vector.extract %reduce_max3A_64[15] : i32 from vector<16xi32>
      %add3A_66 = arith.constant 1 : i32
      %add3A_67 = arith.addi %mul3A_55, %add3A_66 : i32
      %eq3A_68 = vector.broadcast %add3A_67 : i32 to vector<16xi32>
      %eq3A_69 = arith.cmpi eq, %iota3A, %eq3A_68 : vector<16xi32>
      %jit3A_70 = arith.constant 0 : i32
      %broadcast_in_dim3A_71 = vector.broadcast %jit3A_70 : i32 to vector<16xi32>
      %select_n3A_72 = arith.select %eq3A_69, %get3A_52, %broadcast_in_dim3A_71 : vector<16xi1>, vector<16xi32>
      %reduce_max3A_73 = arith.constant true
      %reduce_max3A_74 = vector.broadcast %reduce_max3A_73 : i1 to vector<16xi1>
      %reduce_max3A_75 = arith.constant -2147483648 : i32
      %reduce_max3A_76 = vector.broadcast %reduce_max3A_75 : i32 to vector<16xi32>
      %reduce_max3A_77 = arith.xori %select_n3A_72, %reduce_max3A_76 : vector<16xi32>
      %reduce_max3A_78 = tpu.scan <max>, %reduce_max3A_77 masked %reduce_max3A_74 : vector<16xi32>, vector<16xi1> -> vector<16xi32>
      %reduce_max3A_79 = arith.xori %reduce_max3A_78, %reduce_max3A_76 : vector<16xi32>
      %reduce_max3A_80 = vector.extract %reduce_max3A_79[15] : i32 from vector<16xi32>
      %add3A_81 = arith.constant 2 : i32
      %add3A_82 = arith.addi %mul3A_55, %add3A_81 : i32
      %eq3A_83 = vector.broadcast %add3A_82 : i32 to vector<16xi32>
      %eq3A_84 = arith.cmpi eq, %iota3A, %eq3A_83 : vector<16xi32>
      %jit3A_85 = arith.constant 0 : i32
      %broadcast_in_dim3A_86 = vector.broadcast %jit3A_85 : i32 to vector<16xi32>
      %select_n3A_87 = arith.select %eq3A_84, %get3A_52, %broadcast_in_dim3A_86 : vector<16xi1>, vector<16xi32>
      %reduce_max3A_88 = arith.constant true
      %reduce_max3A_89 = vector.broadcast %reduce_max3A_88 : i1 to vector<16xi1>
      %reduce_max3A_90 = arith.constant -2147483648 : i32
      %reduce_max3A_91 = vector.broadcast %reduce_max3A_90 : i32 to vector<16xi32>
      %reduce_max3A_92 = arith.xori %select_n3A_87, %reduce_max3A_91 : vector<16xi32>
      %reduce_max3A_93 = tpu.scan <max>, %reduce_max3A_92 masked %reduce_max3A_89 : vector<16xi32>, vector<16xi1> -> vector<16xi32>
      %reduce_max3A_94 = arith.xori %reduce_max3A_93, %reduce_max3A_91 : vector<16xi32>
      %reduce_max3A_95 = vector.extract %reduce_max3A_94[15] : i32 from vector<16xi32>
      %add3A_96 = arith.constant 3 : i32
      %add3A_97 = arith.addi %mul3A_55, %add3A_96 : i32
      %eq3A_98 = vector.broadcast %add3A_97 : i32 to vector<16xi32>
      %eq3A_99 = arith.cmpi eq, %iota3A, %eq3A_98 : vector<16xi32>
      %jit3A_100 = arith.constant 0 : i32
      %broadcast_in_dim3A_101 = vector.broadcast %jit3A_100 : i32 to vector<16xi32>
      %select_n3A_102 = arith.select %eq3A_99, %get3A_52, %broadcast_in_dim3A_101 : vector<16xi1>, vector<16xi32>
      %reduce_max3A_103 = arith.constant true
      %reduce_max3A_104 = vector.broadcast %reduce_max3A_103 : i1 to vector<16xi1>
      %reduce_max3A_105 = arith.constant -2147483648 : i32
      %reduce_max3A_106 = vector.broadcast %reduce_max3A_105 : i32 to vector<16xi32>
      %reduce_max3A_107 = arith.xori %select_n3A_102, %reduce_max3A_106 : vector<16xi32>
      %reduce_max3A_108 = tpu.scan <max>, %reduce_max3A_107 masked %reduce_max3A_104 : vector<16xi32>, vector<16xi1> -> vector<16xi32>
      %reduce_max3A_109 = arith.xori %reduce_max3A_108, %reduce_max3A_106 : vector<16xi32>
      %reduce_max3A_110 = vector.extract %reduce_max3A_109[15] : i32 from vector<16xi32>
      %add3A_111 = arith.constant 4 : i32
      %add3A_112 = arith.addi %mul3A_55, %add3A_111 : i32
      %eq3A_113 = vector.broadcast %add3A_112 : i32 to vector<16xi32>
      %eq3A_114 = arith.cmpi eq, %iota3A, %eq3A_113 : vector<16xi32>
      %jit3A_115 = arith.constant 0 : i32
      %broadcast_in_dim3A_116 = vector.broadcast %jit3A_115 : i32 to vector<16xi32>
      %select_n3A_117 = arith.select %eq3A_114, %get3A_52, %broadcast_in_dim3A_116 : vector<16xi1>, vector<16xi32>
      %reduce_max3A_118 = arith.constant true
      %reduce_max3A_119 = vector.broadcast %reduce_max3A_118 : i1 to vector<16xi1>
      %reduce_max3A_120 = arith.constant -2147483648 : i32
      %reduce_max3A_121 = vector.broadcast %reduce_max3A_120 : i32 to vector<16xi32>
      %reduce_max3A_122 = arith.xori %select_n3A_117, %reduce_max3A_121 : vector<16xi32>
      %reduce_max3A_123 = tpu.scan <max>, %reduce_max3A_122 masked %reduce_max3A_119 : vector<16xi32>, vector<16xi1> -> vector<16xi32>
      %reduce_max3A_124 = arith.xori %reduce_max3A_123, %reduce_max3A_121 : vector<16xi32>
      %reduce_max3A_125 = vector.extract %reduce_max3A_124[15] : i32 from vector<16xi32>
      %add3A_126 = arith.constant 5 : i32
      %add3A_127 = arith.addi %mul3A_55, %add3A_126 : i32
      %eq3A_128 = vector.broadcast %add3A_127 : i32 to vector<16xi32>
      %eq3A_129 = arith.cmpi eq, %iota3A, %eq3A_128 : vector<16xi32>
      %jit3A_130 = arith.constant 0 : i32
      %broadcast_in_dim3A_131 = vector.broadcast %jit3A_130 : i32 to vector<16xi32>
      %select_n3A_132 = arith.select %eq3A_129, %get3A_52, %broadcast_in_dim3A_131 : vector<16xi1>, vector<16xi32>
      %reduce_max3A_133 = arith.constant true
      %reduce_max3A_134 = vector.broadcast %reduce_max3A_133 : i1 to vector<16xi1>
      %reduce_max3A_135 = arith.constant -2147483648 : i32
      %reduce_max3A_136 = vector.broadcast %reduce_max3A_135 : i32 to vector<16xi32>
      %reduce_max3A_137 = arith.xori %select_n3A_132, %reduce_max3A_136 : vector<16xi32>
      %reduce_max3A_138 = tpu.scan <max>, %reduce_max3A_137 masked %reduce_max3A_134 : vector<16xi32>, vector<16xi1> -> vector<16xi32>
      %reduce_max3A_139 = arith.xori %reduce_max3A_138, %reduce_max3A_136 : vector<16xi32>
      %reduce_max3A_140 = vector.extract %reduce_max3A_139[15] : i32 from vector<16xi32>
      %add3A_141 = arith.constant 6 : i32
      %add3A_142 = arith.addi %mul3A_55, %add3A_141 : i32
      %eq3A_143 = vector.broadcast %add3A_142 : i32 to vector<16xi32>
      %eq3A_144 = arith.cmpi eq, %iota3A, %eq3A_143 : vector<16xi32>
      %jit3A_145 = arith.constant 0 : i32
      %broadcast_in_dim3A_146 = vector.broadcast %jit3A_145 : i32 to vector<16xi32>
      %select_n3A_147 = arith.select %eq3A_144, %get3A_52, %broadcast_in_dim3A_146 : vector<16xi1>, vector<16xi32>
      %reduce_max3A_148 = arith.constant true
      %reduce_max3A_149 = vector.broadcast %reduce_max3A_148 : i1 to vector<16xi1>
      %reduce_max3A_150 = arith.constant -2147483648 : i32
      %reduce_max3A_151 = vector.broadcast %reduce_max3A_150 : i32 to vector<16xi32>
      %reduce_max3A_152 = arith.xori %select_n3A_147, %reduce_max3A_151 : vector<16xi32>
      %reduce_max3A_153 = tpu.scan <max>, %reduce_max3A_152 masked %reduce_max3A_149 : vector<16xi32>, vector<16xi1> -> vector<16xi32>
      %reduce_max3A_154 = arith.xori %reduce_max3A_153, %reduce_max3A_151 : vector<16xi32>
      %reduce_max3A_155 = vector.extract %reduce_max3A_154[15] : i32 from vector<16xi32>
      %add3A_156 = arith.constant 7 : i32
      %add3A_157 = arith.addi %mul3A_55, %add3A_156 : i32
      %eq3A_158 = vector.broadcast %add3A_157 : i32 to vector<16xi32>
      %eq3A_159 = arith.cmpi eq, %iota3A, %eq3A_158 : vector<16xi32>
      %jit3A_160 = arith.constant 0 : i32
      %broadcast_in_dim3A_161 = vector.broadcast %jit3A_160 : i32 to vector<16xi32>
      %select_n3A_162 = arith.select %eq3A_159, %get3A_52, %broadcast_in_dim3A_161 : vector<16xi1>, vector<16xi32>
      %reduce_max3A_163 = arith.constant true
      %reduce_max3A_164 = vector.broadcast %reduce_max3A_163 : i1 to vector<16xi1>
      %reduce_max3A_165 = arith.constant -2147483648 : i32
      %reduce_max3A_166 = vector.broadcast %reduce_max3A_165 : i32 to vector<16xi32>
      %reduce_max3A_167 = arith.xori %select_n3A_162, %reduce_max3A_166 : vector<16xi32>
      %reduce_max3A_168 = tpu.scan <max>, %reduce_max3A_167 masked %reduce_max3A_164 : vector<16xi32>, vector<16xi1> -> vector<16xi32>
      %reduce_max3A_169 = arith.xori %reduce_max3A_168, %reduce_max3A_166 : vector<16xi32>
      %reduce_max3A_170 = vector.extract %reduce_max3A_169[15] : i32 from vector<16xi32>
      %parallel_loop3A = arith.constant 0 : i32
      %parallel_loop3A_171 = arith.constant 128 : i32
      %parallel_loop3A_172 = arith.constant 1 : i32
      scf.for %parallel_loop3A_649 = %parallel_loop3A to %parallel_loop3A_171 step %parallel_loop3A_172  : i32 {
        %parallel_loop3A_650 = arith.constant 16 : i32
        %parallel_loop3A_651 = arith.muli %parallel_loop3A_649, %parallel_loop3A_650 : i32
        %parallel_loop3A_652 = arith.index_cast %reduce_max3A_65 : i32 to index
        %parallel_loop3A_653 = arith.index_cast %parallel_loop3A_651 : i32 to index
        %parallel_loop3A_654 = tpu.vector_load %arg7[%parallel_loop3A_652, %parallel_loop3A_653] {strides = array<i32>} : memref<12x2048xf32, #tpu.memory_space<vmem>>, vector<16xf32>,
        %parallel_loop3A_655 = arith.constant 16 : i32
        %parallel_loop3A_656 = arith.muli %parallel_loop3A_649, %parallel_loop3A_655 : i32
        %parallel_loop3A_657 = arith.constant 0 : i32
        %parallel_loop3A_658 = arith.index_cast %parallel_loop3A_657 : i32 to index
        %parallel_loop3A_659 = arith.index_cast %parallel_loop3A_656 : i32 to index
        %parallel_loop3A_660 = tpu.vector_load %arg8[%parallel_loop3A_658, %parallel_loop3A_659] {strides = array<i32>} : memref<8x2048xf32, #tpu.memory_space<vmem>>, vector<16xf32>,
        tpu.vector_store %arg8[%parallel_loop3A_658, %parallel_loop3A_659], %parallel_loop3A_654 {add = true, strides = array<i32>} : memref<8x2048xf32, #tpu.memory_space<vmem>>, vector<16xf32>,
        %parallel_loop3A_661 = arith.constant 16 : i32
        %parallel_loop3A_662 = arith.muli %parallel_loop3A_649, %parallel_loop3A_661 : i32
        %parallel_loop3A_663 = arith.index_cast %reduce_max3A_80 : i32 to index
        %parallel_loop3A_664 = arith.index_cast %parallel_loop3A_662 : i32 to index
        %parallel_loop3A_665 = tpu.vector_load %arg7[%parallel_loop3A_663, %parallel_loop3A_664] {strides = array<i32>} : memref<12x2048xf32, #tpu.memory_space<vmem>>, vector<16xf32>,
        %parallel_loop3A_666 = arith.constant 16 : i32
        %parallel_loop3A_667 = arith.muli %parallel_loop3A_649, %parallel_loop3A_666 : i32
        %parallel_loop3A_668 = arith.constant 1 : i32
        %parallel_loop3A_669 = arith.index_cast %parallel_loop3A_668 : i32 to index
        %parallel_loop3A_670 = arith.index_cast %parallel_loop3A_667 : i32 to index
        %parallel_loop3A_671 = tpu.vector_load %arg8[%parallel_loop3A_669, %parallel_loop3A_670] {strides = array<i32>} : memref<8x2048xf32, #tpu.memory_space<vmem>>, vector<16xf32>,
        tpu.vector_store %arg8[%parallel_loop3A_669, %parallel_loop3A_670], %parallel_loop3A_665 {add = true, strides = array<i32>} : memref<8x2048xf32, #tpu.memory_space<vmem>>, vector<16xf32>,
        %parallel_loop3A_672 = arith.constant 16 : i32
        %parallel_loop3A_673 = arith.muli %parallel_loop3A_649, %parallel_loop3A_672 : i32
        %parallel_loop3A_674 = arith.index_cast %reduce_max3A_95 : i32 to index
        %parallel_loop3A_675 = arith.index_cast %parallel_loop3A_673 : i32 to index
        %parallel_loop3A_676 = tpu.vector_load %arg7[%parallel_loop3A_674, %parallel_loop3A_675] {strides = array<i32>} : memref<12x2048xf32, #tpu.memory_space<vmem>>, vector<16xf32>,
        %parallel_loop3A_677 = arith.constant 16 : i32
        %parallel_loop3A_678 = arith.muli %parallel_loop3A_649, %parallel_loop3A_677 : i32
        %parallel_loop3A_679 = arith.constant 2 : i32
        %parallel_loop3A_680 = arith.index_cast %parallel_loop3A_679 : i32 to index
        %parallel_loop3A_681 = arith.index_cast %parallel_loop3A_678 : i32 to index
        %parallel_loop3A_682 = tpu.vector_load %arg8[%parallel_loop3A_680, %parallel_loop3A_681] {strides = array<i32>} : memref<8x2048xf32, #tpu.memory_space<vmem>>, vector<16xf32>,
        tpu.vector_store %arg8[%parallel_loop3A_680, %parallel_loop3A_681], %parallel_loop3A_676 {add = true, strides = array<i32>} : memref<8x2048xf32, #tpu.memory_space<vmem>>, vector<16xf32>,
        %parallel_loop3A_683 = arith.constant 16 : i32
        %parallel_loop3A_684 = arith.muli %parallel_loop3A_649, %parallel_loop3A_683 : i32
        %parallel_loop3A_685 = arith.index_cast %reduce_max3A_110 : i32 to index
        %parallel_loop3A_686 = arith.index_cast %parallel_loop3A_684 : i32 to index
        %parallel_loop3A_687 = tpu.vector_load %arg7[%parallel_loop3A_685, %parallel_loop3A_686] {strides = array<i32>} : memref<12x2048xf32, #tpu.memory_space<vmem>>, vector<16xf32>,
        %parallel_loop3A_688 = arith.constant 16 : i32
        %parallel_loop3A_689 = arith.muli %parallel_loop3A_649, %parallel_loop3A_688 : i32
        %parallel_loop3A_690 = arith.constant 3 : i32
        %parallel_loop3A_691 = arith.index_cast %parallel_loop3A_690 : i32 to index
        %parallel_loop3A_692 = arith.index_cast %parallel_loop3A_689 : i32 to index
        %parallel_loop3A_693 = tpu.vector_load %arg8[%parallel_loop3A_691, %parallel_loop3A_692] {strides = array<i32>} : memref<8x2048xf32, #tpu.memory_space<vmem>>, vector<16xf32>,
        tpu.vector_store %arg8[%parallel_loop3A_691, %parallel_loop3A_692], %parallel_loop3A_687 {add = true, strides = array<i32>} : memref<8x2048xf32, #tpu.memory_space<vmem>>, vector<16xf32>,
        %parallel_loop3A_694 = arith.constant 16 : i32
        %parallel_loop3A_695 = arith.muli %parallel_loop3A_649, %parallel_loop3A_694 : i32
        %parallel_loop3A_696 = arith.index_cast %reduce_max3A_125 : i32 to index
        %parallel_loop3A_697 = arith.index_cast %parallel_loop3A_695 : i32 to index
        %parallel_loop3A_698 = tpu.vector_load %arg7[%parallel_loop3A_696, %parallel_loop3A_697] {strides = array<i32>} : memref<12x2048xf32, #tpu.memory_space<vmem>>, vector<16xf32>,
        %parallel_loop3A_699 = arith.constant 16 : i32
        %parallel_loop3A_700 = arith.muli %parallel_loop3A_649, %parallel_loop3A_699 : i32
        %parallel_loop3A_701 = arith.constant 4 : i32
        %parallel_loop3A_702 = arith.index_cast %parallel_loop3A_701 : i32 to index
        %parallel_loop3A_703 = arith.index_cast %parallel_loop3A_700 : i32 to index
        %parallel_loop3A_704 = tpu.vector_load %arg8[%parallel_loop3A_702, %parallel_loop3A_703] {strides = array<i32>} : memref<8x2048xf32, #tpu.memory_space<vmem>>, vector<16xf32>,
        tpu.vector_store %arg8[%parallel_loop3A_702, %parallel_loop3A_703], %parallel_loop3A_698 {add = true, strides = array<i32>} : memref<8x2048xf32, #tpu.memory_space<vmem>>, vector<16xf32>,
        %parallel_loop3A_705 = arith.constant 16 : i32
        %parallel_loop3A_706 = arith.muli %parallel_loop3A_649, %parallel_loop3A_705 : i32
        %parallel_loop3A_707 = arith.index_cast %reduce_max3A_140 : i32 to index
        %parallel_loop3A_708 = arith.index_cast %parallel_loop3A_706 : i32 to index
        %parallel_loop3A_709 = tpu.vector_load %arg7[%parallel_loop3A_707, %parallel_loop3A_708] {strides = array<i32>} : memref<12x2048xf32, #tpu.memory_space<vmem>>, vector<16xf32>,
        %parallel_loop3A_710 = arith.constant 16 : i32
        %parallel_loop3A_711 = arith.muli %parallel_loop3A_649, %parallel_loop3A_710 : i32
        %parallel_loop3A_712 = arith.constant 5 : i32
        %parallel_loop3A_713 = arith.index_cast %parallel_loop3A_712 : i32 to index
        %parallel_loop3A_714 = arith.index_cast %parallel_loop3A_711 : i32 to index
        %parallel_loop3A_715 = tpu.vector_load %arg8[%parallel_loop3A_713, %parallel_loop3A_714] {strides = array<i32>} : memref<8x2048xf32, #tpu.memory_space<vmem>>, vector<16xf32>,
        tpu.vector_store %arg8[%parallel_loop3A_713, %parallel_loop3A_714], %parallel_loop3A_709 {add = true, strides = array<i32>} : memref<8x2048xf32, #tpu.memory_space<vmem>>, vector<16xf32>,
        %parallel_loop3A_716 = arith.constant 16 : i32
        %parallel_loop3A_717 = arith.muli %parallel_loop3A_649, %parallel_loop3A_716 : i32
        %parallel_loop3A_718 = arith.index_cast %reduce_max3A_155 : i32 to index
        %parallel_loop3A_719 = arith.index_cast %parallel_loop3A_717 : i32 to index
        %parallel_loop3A_720 = tpu.vector_load %arg7[%parallel_loop3A_718, %parallel_loop3A_719] {strides = array<i32>} : memref<12x2048xf32, #tpu.memory_space<vmem>>, vector<16xf32>,
        %parallel_loop3A_721 = arith.constant 16 : i32
        %parallel_loop3A_722 = arith.muli %parallel_loop3A_649, %parallel_loop3A_721 : i32
        %parallel_loop3A_723 = arith.constant 6 : i32
        %parallel_loop3A_724 = arith.index_cast %parallel_loop3A_723 : i32 to index
        %parallel_loop3A_725 = arith.index_cast %parallel_loop3A_722 : i32 to index
        %parallel_loop3A_726 = tpu.vector_load %arg8[%parallel_loop3A_724, %parallel_loop3A_725] {strides = array<i32>} : memref<8x2048xf32, #tpu.memory_space<vmem>>, vector<16xf32>,
        tpu.vector_store %arg8[%parallel_loop3A_724, %parallel_loop3A_725], %parallel_loop3A_720 {add = true, strides = array<i32>} : memref<8x2048xf32, #tpu.memory_space<vmem>>, vector<16xf32>,
        %parallel_loop3A_727 = arith.constant 16 : i32
        %parallel_loop3A_728 = arith.muli %parallel_loop3A_649, %parallel_loop3A_727 : i32
        %parallel_loop3A_729 = arith.index_cast %reduce_max3A_170 : i32 to index
        %parallel_loop3A_730 = arith.index_cast %parallel_loop3A_728 : i32 to index
        %parallel_loop3A_731 = tpu.vector_load %arg7[%parallel_loop3A_729, %parallel_loop3A_730] {strides = array<i32>} : memref<12x2048xf32, #tpu.memory_space<vmem>>, vector<16xf32>,
        %parallel_loop3A_732 = arith.constant 16 : i32
        %parallel_loop3A_733 = arith.muli %parallel_loop3A_649, %parallel_loop3A_732 : i32
        %parallel_loop3A_734 = arith.constant 7 : i32
        %parallel_loop3A_735 = arith.index_cast %parallel_loop3A_734 : i32 to index
        %parallel_loop3A_736 = arith.index_cast %parallel_loop3A_733 : i32 to index
        %parallel_loop3A_737 = tpu.vector_load %arg8[%parallel_loop3A_735, %parallel_loop3A_736] {strides = array<i32>} : memref<8x2048xf32, #tpu.memory_space<vmem>>, vector<16xf32>,
        tpu.vector_store %arg8[%parallel_loop3A_735, %parallel_loop3A_736], %parallel_loop3A_731 {add = true, strides = array<i32>} : memref<8x2048xf32, #tpu.memory_space<vmem>>, vector<16xf32>,
      } {sc.loop_unroll_factor = 2 : i64, sc.parallel_access}
      %mul3A_173 = arith.constant 8 : i32
      %mul3A_174 = arith.muli %add3A_44, %mul3A_173 : i32
      %add3A_175 = arith.addi %mul3A_2, %mul3A_174 : i32
      %dma_start3A_176 = arith.constant 0 : i32
      %dma_start3A_177 = tpu.memref_slice %arg5[%add3A_175, %dma_start3A_176] : memref<16384x2048xf32, #tpu.memory_space<hbm>> -> memref<8x2048xf32, #tpu.memory_space<hbm>>
      %dma_start3A_178 = arith.constant 0 : i32
      %dma_start3A_179 = tpu.memref_slice %arg5[%add3A_175, %dma_start3A_178] : memref<16384x2048xf32, #tpu.memory_space<hbm>> -> memref<8x2048xf32, #tpu.memory_space<hbm>>
      tpu.enqueue_dma source(%arg8 : memref<8x2048xf32, #tpu.memory_space<vmem>>) target(%dma_start3A_179 : memref<8x2048xf32, #tpu.memory_space<hbm>>) target_semaphore(%arg16 : memref<!tpu.dma_semaphore, #tpu.memory_space<semaphore_mem>>)
      %add3A_180 = arith.constant 3 : i32
      %add3A_181 = arith.addi %add3A_44, %add3A_180 : i32
      %lt3A = arith.constant 64 : i32
      %lt3A_182 = arith.cmpi slt, %add3A_181, %lt3A : i32
      %convert_element_type3A = arith.extui %lt3A_182 : i1 to i32
      %cond3A = arith.constant 0 : i32
      %cond3A_183 = arith.cmpi ne, %convert_element_type3A, %cond3A : i32
      scf.if %cond3A_183 {
        %ge3A = arith.constant 1 : i32
        %ge3A_649 = arith.cmpi sge, %add3A_44, %ge3A : i32
        %convert_element_type3A_650 = arith.extui %ge3A_649 : i1 to i32
        %cond3A_651 = arith.constant 0 : i32
        %cond3A_652 = arith.cmpi ne, %convert_element_type3A_650, %cond3A_651 : i32
        scf.if %cond3A_652 {
          %dma_wait3A_662 = arith.constant 0 : i32
          %dma_wait3A_663 = tpu.memref_slice %arg5[%mul3A_2, %dma_wait3A_662] : memref<16384x2048xf32, #tpu.memory_space<hbm>> -> memref<8x2048xf32, #tpu.memory_space<hbm>>
          %dma_wait3A_664 = arith.constant 0 : i32
          %dma_wait3A_665 = tpu.memref_slice %arg5[%mul3A_2, %dma_wait3A_664] : memref<16384x2048xf32, #tpu.memory_space<hbm>> -> memref<8x2048xf32, #tpu.memory_space<hbm>>
          tpu.wait_dma2 semaphore(%arg19 : memref<!tpu.dma_semaphore, #tpu.memory_space<semaphore_mem>>) src(%arg11 : memref<8x2048xf32, #tpu.memory_space<vmem>>) dst(%dma_wait3A_665 : memref<8x2048xf32, #tpu.memory_space<hbm>>)
        } else {
        }
        %add3A_653 = arith.constant 3 : i32
        %add3A_654 = arith.addi %add3A_44, %add3A_653 : i32
        %mul3A_655 = arith.constant 8 : i32
        %mul3A_656 = arith.muli %add3A_654, %mul3A_655 : i32
        %add3A_657 = arith.addi %mul3A_2, %mul3A_656 : i32
        %dma_start3A_658 = arith.constant 0 : i32
        %dma_start3A_659 = tpu.memref_slice %arg2[%add3A_657, %dma_start3A_658] : memref<16384x2048xf32, #tpu.memory_space<hbm>> -> memref<8x2048xf32, #tpu.memory_space<hbm>>
        %dma_start3A_660 = arith.constant 0 : i32
        %dma_start3A_661 = tpu.memref_slice %arg2[%add3A_657, %dma_start3A_660] : memref<16384x2048xf32, #tpu.memory_space<hbm>> -> memref<8x2048xf32, #tpu.memory_space<hbm>>
        tpu.enqueue_dma source(%dma_start3A_661 : memref<8x2048xf32, #tpu.memory_space<hbm>>) target(%arg11 : memref<8x2048xf32, #tpu.memory_space<vmem>>) target_semaphore(%arg15 : memref<!tpu.dma_semaphore, #tpu.memory_space<semaphore_mem>>)
      } else {
      }
      %mul3A_184 = arith.constant 4 : i32
      %mul3A_185 = arith.muli %scan3A_40, %mul3A_184 : i32
      %add3A_186 = arith.constant 1 : i32
      %add3A_187 = arith.addi %mul3A_185, %add3A_186 : i32
      %dma_wait3A_188 = arith.constant 0 : i32
      %dma_wait3A_189 = tpu.memref_slice %arg2[%mul3A_2, %dma_wait3A_188] : memref<16384x2048xf32, #tpu.memory_space<hbm>> -> memref<8x2048xf32, #tpu.memory_space<hbm>>
      %dma_wait3A_190 = arith.constant 0 : i32
      %dma_wait3A_191 = tpu.memref_slice %arg2[%mul3A_2, %dma_wait3A_190] : memref<16384x2048xf32, #tpu.memory_space<hbm>> -> memref<8x2048xf32, #tpu.memory_space<hbm>>
      tpu.wait_dma2 semaphore(%arg13 : memref<!tpu.dma_semaphore, #tpu.memory_space<semaphore_mem>>) src(%dma_wait3A_191 : memref<8x2048xf32, #tpu.memory_space<hbm>>) dst(%arg9 : memref<8x2048xf32, #tpu.memory_space<vmem>>)
      %div3A_192 = arith.constant 2 : i32
      %div3A_193 = arith.divsi %add3A_187, %div3A_192 : i32
      %mul3A_194 = arith.constant 16 : i32
      %mul3A_195 = arith.muli %div3A_193, %mul3A_194 : i32
      %get3A_196 = arith.index_cast %mul3A_195 : i32 to index
      %get3A_197 = tpu.vector_load %arg6[%get3A_196] {strides = array<i32>} : memref<512xi32, #tpu.memory_space<vmem>>, vector<16xi32>,
      %rem3A_198 = arith.constant 2 : i32
      %rem3A_199 = arith.remsi %add3A_187, %rem3A_198 : i32
      %mul3A_200 = arith.constant 8 : i32
      %mul3A_201 = arith.muli %rem3A_199, %mul3A_200 : i32
      %add3A_202 = arith.constant 0 : i32
      %add3A_203 = arith.addi %mul3A_201, %add3A_202 : i32
      %eq3A_204 = vector.broadcast %add3A_203 : i32 to vector<16xi32>
      %eq3A_205 = arith.cmpi eq, %iota3A, %eq3A_204 : vector<16xi32>
      %jit3A_206 = arith.constant 0 : i32
      %broadcast_in_dim3A_207 = vector.broadcast %jit3A_206 : i32 to vector<16xi32>
      %select_n3A_208 = arith.select %eq3A_205, %get3A_197, %broadcast_in_dim3A_207 : vector<16xi1>, vector<16xi32>
      %reduce_max3A_209 = arith.constant true
      %reduce_max3A_210 = vector.broadcast %reduce_max3A_209 : i1 to vector<16xi1>
      %reduce_max3A_211 = arith.constant -2147483648 : i32
      %reduce_max3A_212 = vector.broadcast %reduce_max3A_211 : i32 to vector<16xi32>
      %reduce_max3A_213 = arith.xori %select_n3A_208, %reduce_max3A_212 : vector<16xi32>
      %reduce_max3A_214 = tpu.scan <max>, %reduce_max3A_213 masked %reduce_max3A_210 : vector<16xi32>, vector<16xi1> -> vector<16xi32>
      %reduce_max3A_215 = arith.xori %reduce_max3A_214, %reduce_max3A_212 : vector<16xi32>
      %reduce_max3A_216 = vector.extract %reduce_max3A_215[15] : i32 from vector<16xi32>
      %add3A_217 = arith.constant 1 : i32
      %add3A_218 = arith.addi %mul3A_201, %add3A_217 : i32
      %eq3A_219 = vector.broadcast %add3A_218 : i32 to vector<16xi32>
      %eq3A_220 = arith.cmpi eq, %iota3A, %eq3A_219 : vector<16xi32>
      %jit3A_221 = arith.constant 0 : i32
      %broadcast_in_dim3A_222 = vector.broadcast %jit3A_221 : i32 to vector<16xi32>
      %select_n3A_223 = arith.select %eq3A_220, %get3A_197, %broadcast_in_dim3A_222 : vector<16xi1>, vector<16xi32>
      %reduce_max3A_224 = arith.constant true
      %reduce_max3A_225 = vector.broadcast %reduce_max3A_224 : i1 to vector<16xi1>
      %reduce_max3A_226 = arith.constant -2147483648 : i32
      %reduce_max3A_227 = vector.broadcast %reduce_max3A_226 : i32 to vector<16xi32>
      %reduce_max3A_228 = arith.xori %select_n3A_223, %reduce_max3A_227 : vector<16xi32>
      %reduce_max3A_229 = tpu.scan <max>, %reduce_max3A_228 masked %reduce_max3A_225 : vector<16xi32>, vector<16xi1> -> vector<16xi32>
      %reduce_max3A_230 = arith.xori %reduce_max3A_229, %reduce_max3A_227 : vector<16xi32>
      %reduce_max3A_231 = vector.extract %reduce_max3A_230[15] : i32 from vector<16xi32>
      %add3A_232 = arith.constant 2 : i32
      %add3A_233 = arith.addi %mul3A_201, %add3A_232 : i32
      %eq3A_234 = vector.broadcast %add3A_233 : i32 to vector<16xi32>
      %eq3A_235 = arith.cmpi eq, %iota3A, %eq3A_234 : vector<16xi32>
      %jit3A_236 = arith.constant 0 : i32
      %broadcast_in_dim3A_237 = vector.broadcast %jit3A_236 : i32 to vector<16xi32>
      %select_n3A_238 = arith.select %eq3A_235, %get3A_197, %broadcast_in_dim3A_237 : vector<16xi1>, vector<16xi32>
      %reduce_max3A_239 = arith.constant true
      %reduce_max3A_240 = vector.broadcast %reduce_max3A_239 : i1 to vector<16xi1>
      %reduce_max3A_241 = arith.constant -2147483648 : i32
      %reduce_max3A_242 = vector.broadcast %reduce_max3A_241 : i32 to vector<16xi32>
      %reduce_max3A_243 = arith.xori %select_n3A_238, %reduce_max3A_242 : vector<16xi32>
      %reduce_max3A_244 = tpu.scan <max>, %reduce_max3A_243 masked %reduce_max3A_240 : vector<16xi32>, vector<16xi1> -> vector<16xi32>
      %reduce_max3A_245 = arith.xori %reduce_max3A_244, %reduce_max3A_242 : vector<16xi32>
      %reduce_max3A_246 = vector.extract %reduce_max3A_245[15] : i32 from vector<16xi32>
      %add3A_247 = arith.constant 3 : i32
      %add3A_248 = arith.addi %mul3A_201, %add3A_247 : i32
      %eq3A_249 = vector.broadcast %add3A_248 : i32 to vector<16xi32>
      %eq3A_250 = arith.cmpi eq, %iota3A, %eq3A_249 : vector<16xi32>
      %jit3A_251 = arith.constant 0 : i32
      %broadcast_in_dim3A_252 = vector.broadcast %jit3A_251 : i32 to vector<16xi32>
      %select_n3A_253 = arith.select %eq3A_250, %get3A_197, %broadcast_in_dim3A_252 : vector<16xi1>, vector<16xi32>
      %reduce_max3A_254 = arith.constant true
      %reduce_max3A_255 = vector.broadcast %reduce_max3A_254 : i1 to vector<16xi1>
      %reduce_max3A_256 = arith.constant -2147483648 : i32
      %reduce_max3A_257 = vector.broadcast %reduce_max3A_256 : i32 to vector<16xi32>
      %reduce_max3A_258 = arith.xori %select_n3A_253, %reduce_max3A_257 : vector<16xi32>
      %reduce_max3A_259 = tpu.scan <max>, %reduce_max3A_258 masked %reduce_max3A_255 : vector<16xi32>, vector<16xi1> -> vector<16xi32>
      %reduce_max3A_260 = arith.xori %reduce_max3A_259, %reduce_max3A_257 : vector<16xi32>
      %reduce_max3A_261 = vector.extract %reduce_max3A_260[15] : i32 from vector<16xi32>
      %add3A_262 = arith.constant 4 : i32
      %add3A_263 = arith.addi %mul3A_201, %add3A_262 : i32
      %eq3A_264 = vector.broadcast %add3A_263 : i32 to vector<16xi32>
      %eq3A_265 = arith.cmpi eq, %iota3A, %eq3A_264 : vector<16xi32>
      %jit3A_266 = arith.constant 0 : i32
      %broadcast_in_dim3A_267 = vector.broadcast %jit3A_266 : i32 to vector<16xi32>
      %select_n3A_268 = arith.select %eq3A_265, %get3A_197, %broadcast_in_dim3A_267 : vector<16xi1>, vector<16xi32>
      %reduce_max3A_269 = arith.constant true
      %reduce_max3A_270 = vector.broadcast %reduce_max3A_269 : i1 to vector<16xi1>
      %reduce_max3A_271 = arith.constant -2147483648 : i32
      %reduce_max3A_272 = vector.broadcast %reduce_max3A_271 : i32 to vector<16xi32>
      %reduce_max3A_273 = arith.xori %select_n3A_268, %reduce_max3A_272 : vector<16xi32>
      %reduce_max3A_274 = tpu.scan <max>, %reduce_max3A_273 masked %reduce_max3A_270 : vector<16xi32>, vector<16xi1> -> vector<16xi32>
      %reduce_max3A_275 = arith.xori %reduce_max3A_274, %reduce_max3A_272 : vector<16xi32>
      %reduce_max3A_276 = vector.extract %reduce_max3A_275[15] : i32 from vector<16xi32>
      %add3A_277 = arith.constant 5 : i32
      %add3A_278 = arith.addi %mul3A_201, %add3A_277 : i32
      %eq3A_279 = vector.broadcast %add3A_278 : i32 to vector<16xi32>
      %eq3A_280 = arith.cmpi eq, %iota3A, %eq3A_279 : vector<16xi32>
      %jit3A_281 = arith.constant 0 : i32
      %broadcast_in_dim3A_282 = vector.broadcast %jit3A_281 : i32 to vector<16xi32>
      %select_n3A_283 = arith.select %eq3A_280, %get3A_197, %broadcast_in_dim3A_282 : vector<16xi1>, vector<16xi32>
      %reduce_max3A_284 = arith.constant true
      %reduce_max3A_285 = vector.broadcast %reduce_max3A_284 : i1 to vector<16xi1>
      %reduce_max3A_286 = arith.constant -2147483648 : i32
      %reduce_max3A_287 = vector.broadcast %reduce_max3A_286 : i32 to vector<16xi32>
      %reduce_max3A_288 = arith.xori %select_n3A_283, %reduce_max3A_287 : vector<16xi32>
      %reduce_max3A_289 = tpu.scan <max>, %reduce_max3A_288 masked %reduce_max3A_285 : vector<16xi32>, vector<16xi1> -> vector<16xi32>
      %reduce_max3A_290 = arith.xori %reduce_max3A_289, %reduce_max3A_287 : vector<16xi32>
      %reduce_max3A_291 = vector.extract %reduce_max3A_290[15] : i32 from vector<16xi32>
      %add3A_292 = arith.constant 6 : i32
      %add3A_293 = arith.addi %mul3A_201, %add3A_292 : i32
      %eq3A_294 = vector.broadcast %add3A_293 : i32 to vector<16xi32>
      %eq3A_295 = arith.cmpi eq, %iota3A, %eq3A_294 : vector<16xi32>
      %jit3A_296 = arith.constant 0 : i32
      %broadcast_in_dim3A_297 = vector.broadcast %jit3A_296 : i32 to vector<16xi32>
      %select_n3A_298 = arith.select %eq3A_295, %get3A_197, %broadcast_in_dim3A_297 : vector<16xi1>, vector<16xi32>
      %reduce_max3A_299 = arith.constant true
      %reduce_max3A_300 = vector.broadcast %reduce_max3A_299 : i1 to vector<16xi1>
      %reduce_max3A_301 = arith.constant -2147483648 : i32
      %reduce_max3A_302 = vector.broadcast %reduce_max3A_301 : i32 to vector<16xi32>
      %reduce_max3A_303 = arith.xori %select_n3A_298, %reduce_max3A_302 : vector<16xi32>
      %reduce_max3A_304 = tpu.scan <max>, %reduce_max3A_303 masked %reduce_max3A_300 : vector<16xi32>, vector<16xi1> -> vector<16xi32>
      %reduce_max3A_305 = arith.xori %reduce_max3A_304, %reduce_max3A_302 : vector<16xi32>
      %reduce_max3A_306 = vector.extract %reduce_max3A_305[15] : i32 from vector<16xi32>
      %add3A_307 = arith.constant 7 : i32
      %add3A_308 = arith.addi %mul3A_201, %add3A_307 : i32
      %eq3A_309 = vector.broadcast %add3A_308 : i32 to vector<16xi32>
      %eq3A_310 = arith.cmpi eq, %iota3A, %eq3A_309 : vector<16xi32>
      %jit3A_311 = arith.constant 0 : i32
      %broadcast_in_dim3A_312 = vector.broadcast %jit3A_311 : i32 to vector<16xi32>
      %select_n3A_313 = arith.select %eq3A_310, %get3A_197, %broadcast_in_dim3A_312 : vector<16xi1>, vector<16xi32>
      %reduce_max3A_314 = arith.constant true
      %reduce_max3A_315 = vector.broadcast %reduce_max3A_314 : i1 to vector<16xi1>
      %reduce_max3A_316 = arith.constant -2147483648 : i32
      %reduce_max3A_317 = vector.broadcast %reduce_max3A_316 : i32 to vector<16xi32>
      %reduce_max3A_318 = arith.xori %select_n3A_313, %reduce_max3A_317 : vector<16xi32>
      %reduce_max3A_319 = tpu.scan <max>, %reduce_max3A_318 masked %reduce_max3A_315 : vector<16xi32>, vector<16xi1> -> vector<16xi32>
      %reduce_max3A_320 = arith.xori %reduce_max3A_319, %reduce_max3A_317 : vector<16xi32>
      %reduce_max3A_321 = vector.extract %reduce_max3A_320[15] : i32 from vector<16xi32>
      %parallel_loop3A_322 = arith.constant 0 : i32
      %parallel_loop3A_323 = arith.constant 128 : i32
      %parallel_loop3A_324 = arith.constant 1 : i32
      scf.for %parallel_loop3A_649 = %parallel_loop3A_322 to %parallel_loop3A_323 step %parallel_loop3A_324  : i32 {
        %parallel_loop3A_650 = arith.constant 16 : i32
        %parallel_loop3A_651 = arith.muli %parallel_loop3A_649, %parallel_loop3A_650 : i32
        %parallel_loop3A_652 = arith.index_cast %reduce_max3A_216 : i32 to index
        %parallel_loop3A_653 = arith.index_cast %parallel_loop3A_651 : i32 to index
        %parallel_loop3A_654 = tpu.vector_load %arg7[%parallel_loop3A_652, %parallel_loop3A_653] {strides = array<i32>} : memref<12x2048xf32, #tpu.memory_space<vmem>>, vector<16xf32>,
        %parallel_loop3A_655 = arith.constant 16 : i32
        %parallel_loop3A_656 = arith.muli %parallel_loop3A_649, %parallel_loop3A_655 : i32
        %parallel_loop3A_657 = arith.constant 0 : i32
        %parallel_loop3A_658 = arith.index_cast %parallel_loop3A_657 : i32 to index
        %parallel_loop3A_659 = arith.index_cast %parallel_loop3A_656 : i32 to index
        %parallel_loop3A_660 = tpu.vector_load %arg9[%parallel_loop3A_658, %parallel_loop3A_659] {strides = array<i32>} : memref<8x2048xf32, #tpu.memory_space<vmem>>, vector<16xf32>,
        tpu.vector_store %arg9[%parallel_loop3A_658, %parallel_loop3A_659], %parallel_loop3A_654 {add = true, strides = array<i32>} : memref<8x2048xf32, #tpu.memory_space<vmem>>, vector<16xf32>,
        %parallel_loop3A_661 = arith.constant 16 : i32
        %parallel_loop3A_662 = arith.muli %parallel_loop3A_649, %parallel_loop3A_661 : i32
        %parallel_loop3A_663 = arith.index_cast %reduce_max3A_231 : i32 to index
        %parallel_loop3A_664 = arith.index_cast %parallel_loop3A_662 : i32 to index
        %parallel_loop3A_665 = tpu.vector_load %arg7[%parallel_loop3A_663, %parallel_loop3A_664] {strides = array<i32>} : memref<12x2048xf32, #tpu.memory_space<vmem>>, vector<16xf32>,
        %parallel_loop3A_666 = arith.constant 16 : i32
        %parallel_loop3A_667 = arith.muli %parallel_loop3A_649, %parallel_loop3A_666 : i32
        %parallel_loop3A_668 = arith.constant 1 : i32
        %parallel_loop3A_669 = arith.index_cast %parallel_loop3A_668 : i32 to index
        %parallel_loop3A_670 = arith.index_cast %parallel_loop3A_667 : i32 to index
        %parallel_loop3A_671 = tpu.vector_load %arg9[%parallel_loop3A_669, %parallel_loop3A_670] {strides = array<i32>} : memref<8x2048xf32, #tpu.memory_space<vmem>>, vector<16xf32>,
        tpu.vector_store %arg9[%parallel_loop3A_669, %parallel_loop3A_670], %parallel_loop3A_665 {add = true, strides = array<i32>} : memref<8x2048xf32, #tpu.memory_space<vmem>>, vector<16xf32>,
        %parallel_loop3A_672 = arith.constant 16 : i32
        %parallel_loop3A_673 = arith.muli %parallel_loop3A_649, %parallel_loop3A_672 : i32
        %parallel_loop3A_674 = arith.index_cast %reduce_max3A_246 : i32 to index
        %parallel_loop3A_675 = arith.index_cast %parallel_loop3A_673 : i32 to index
        %parallel_loop3A_676 = tpu.vector_load %arg7[%parallel_loop3A_674, %parallel_loop3A_675] {strides = array<i32>} : memref<12x2048xf32, #tpu.memory_space<vmem>>, vector<16xf32>,
        %parallel_loop3A_677 = arith.constant 16 : i32
        %parallel_loop3A_678 = arith.muli %parallel_loop3A_649, %parallel_loop3A_677 : i32
        %parallel_loop3A_679 = arith.constant 2 : i32
        %parallel_loop3A_680 = arith.index_cast %parallel_loop3A_679 : i32 to index
        %parallel_loop3A_681 = arith.index_cast %parallel_loop3A_678 : i32 to index
        %parallel_loop3A_682 = tpu.vector_load %arg9[%parallel_loop3A_680, %parallel_loop3A_681] {strides = array<i32>} : memref<8x2048xf32, #tpu.memory_space<vmem>>, vector<16xf32>,
        tpu.vector_store %arg9[%parallel_loop3A_680, %parallel_loop3A_681], %parallel_loop3A_676 {add = true, strides = array<i32>} : memref<8x2048xf32, #tpu.memory_space<vmem>>, vector<16xf32>,
        %parallel_loop3A_683 = arith.constant 16 : i32
        %parallel_loop3A_684 = arith.muli %parallel_loop3A_649, %parallel_loop3A_683 : i32
        %parallel_loop3A_685 = arith.index_cast %reduce_max3A_261 : i32 to index
        %parallel_loop3A_686 = arith.index_cast %parallel_loop3A_684 : i32 to index
        %parallel_loop3A_687 = tpu.vector_load %arg7[%parallel_loop3A_685, %parallel_loop3A_686] {strides = array<i32>} : memref<12x2048xf32, #tpu.memory_space<vmem>>, vector<16xf32>,
        %parallel_loop3A_688 = arith.constant 16 : i32
        %parallel_loop3A_689 = arith.muli %parallel_loop3A_649, %parallel_loop3A_688 : i32
        %parallel_loop3A_690 = arith.constant 3 : i32
        %parallel_loop3A_691 = arith.index_cast %parallel_loop3A_690 : i32 to index
        %parallel_loop3A_692 = arith.index_cast %parallel_loop3A_689 : i32 to index
        %parallel_loop3A_693 = tpu.vector_load %arg9[%parallel_loop3A_691, %parallel_loop3A_692] {strides = array<i32>} : memref<8x2048xf32, #tpu.memory_space<vmem>>, vector<16xf32>,
        tpu.vector_store %arg9[%parallel_loop3A_691, %parallel_loop3A_692], %parallel_loop3A_687 {add = true, strides = array<i32>} : memref<8x2048xf32, #tpu.memory_space<vmem>>, vector<16xf32>,
        %parallel_loop3A_694 = arith.constant 16 : i32
        %parallel_loop3A_695 = arith.muli %parallel_loop3A_649, %parallel_loop3A_694 : i32
        %parallel_loop3A_696 = arith.index_cast %reduce_max3A_276 : i32 to index
        %parallel_loop3A_697 = arith.index_cast %parallel_loop3A_695 : i32 to index
        %parallel_loop3A_698 = tpu.vector_load %arg7[%parallel_loop3A_696, %parallel_loop3A_697] {strides = array<i32>} : memref<12x2048xf32, #tpu.memory_space<vmem>>, vector<16xf32>,
        %parallel_loop3A_699 = arith.constant 16 : i32
        %parallel_loop3A_700 = arith.muli %parallel_loop3A_649, %parallel_loop3A_699 : i32
        %parallel_loop3A_701 = arith.constant 4 : i32
        %parallel_loop3A_702 = arith.index_cast %parallel_loop3A_701 : i32 to index
        %parallel_loop3A_703 = arith.index_cast %parallel_loop3A_700 : i32 to index
        %parallel_loop3A_704 = tpu.vector_load %arg9[%parallel_loop3A_702, %parallel_loop3A_703] {strides = array<i32>} : memref<8x2048xf32, #tpu.memory_space<vmem>>, vector<16xf32>,
        tpu.vector_store %arg9[%parallel_loop3A_702, %parallel_loop3A_703], %parallel_loop3A_698 {add = true, strides = array<i32>} : memref<8x2048xf32, #tpu.memory_space<vmem>>, vector<16xf32>,
        %parallel_loop3A_705 = arith.constant 16 : i32
        %parallel_loop3A_706 = arith.muli %parallel_loop3A_649, %parallel_loop3A_705 : i32
        %parallel_loop3A_707 = arith.index_cast %reduce_max3A_291 : i32 to index
        %parallel_loop3A_708 = arith.index_cast %parallel_loop3A_706 : i32 to index
        %parallel_loop3A_709 = tpu.vector_load %arg7[%parallel_loop3A_707, %parallel_loop3A_708] {strides = array<i32>} : memref<12x2048xf32, #tpu.memory_space<vmem>>, vector<16xf32>,
        %parallel_loop3A_710 = arith.constant 16 : i32
        %parallel_loop3A_711 = arith.muli %parallel_loop3A_649, %parallel_loop3A_710 : i32
        %parallel_loop3A_712 = arith.constant 5 : i32
        %parallel_loop3A_713 = arith.index_cast %parallel_loop3A_712 : i32 to index
        %parallel_loop3A_714 = arith.index_cast %parallel_loop3A_711 : i32 to index
        %parallel_loop3A_715 = tpu.vector_load %arg9[%parallel_loop3A_713, %parallel_loop3A_714] {strides = array<i32>} : memref<8x2048xf32, #tpu.memory_space<vmem>>, vector<16xf32>,
        tpu.vector_store %arg9[%parallel_loop3A_713, %parallel_loop3A_714], %parallel_loop3A_709 {add = true, strides = array<i32>} : memref<8x2048xf32, #tpu.memory_space<vmem>>, vector<16xf32>,
        %parallel_loop3A_716 = arith.constant 16 : i32
        %parallel_loop3A_717 = arith.muli %parallel_loop3A_649, %parallel_loop3A_716 : i32
        %parallel_loop3A_718 = arith.index_cast %reduce_max3A_306 : i32 to index
        %parallel_loop3A_719 = arith.index_cast %parallel_loop3A_717 : i32 to index
        %parallel_loop3A_720 = tpu.vector_load %arg7[%parallel_loop3A_718, %parallel_loop3A_719] {strides = array<i32>} : memref<12x2048xf32, #tpu.memory_space<vmem>>, vector<16xf32>,
        %parallel_loop3A_721 = arith.constant 16 : i32
        %parallel_loop3A_722 = arith.muli %parallel_loop3A_649, %parallel_loop3A_721 : i32
        %parallel_loop3A_723 = arith.constant 6 : i32
        %parallel_loop3A_724 = arith.index_cast %parallel_loop3A_723 : i32 to index
        %parallel_loop3A_725 = arith.index_cast %parallel_loop3A_722 : i32 to index
        %parallel_loop3A_726 = tpu.vector_load %arg9[%parallel_loop3A_724, %parallel_loop3A_725] {strides = array<i32>} : memref<8x2048xf32, #tpu.memory_space<vmem>>, vector<16xf32>,
        tpu.vector_store %arg9[%parallel_loop3A_724, %parallel_loop3A_725], %parallel_loop3A_720 {add = true, strides = array<i32>} : memref<8x2048xf32, #tpu.memory_space<vmem>>, vector<16xf32>,
        %parallel_loop3A_727 = arith.constant 16 : i32
        %parallel_loop3A_728 = arith.muli %parallel_loop3A_649, %parallel_loop3A_727 : i32
        %parallel_loop3A_729 = arith.index_cast %reduce_max3A_321 : i32 to index
        %parallel_loop3A_730 = arith.index_cast %parallel_loop3A_728 : i32 to index
        %parallel_loop3A_731 = tpu.vector_load %arg7[%parallel_loop3A_729, %parallel_loop3A_730] {strides = array<i32>} : memref<12x2048xf32, #tpu.memory_space<vmem>>, vector<16xf32>,
        %parallel_loop3A_732 = arith.constant 16 : i32
        %parallel_loop3A_733 = arith.muli %parallel_loop3A_649, %parallel_loop3A_732 : i32
        %parallel_loop3A_734 = arith.constant 7 : i32
        %parallel_loop3A_735 = arith.index_cast %parallel_loop3A_734 : i32 to index
        %parallel_loop3A_736 = arith.index_cast %parallel_loop3A_733 : i32 to index
        %parallel_loop3A_737 = tpu.vector_load %arg9[%parallel_loop3A_735, %parallel_loop3A_736] {strides = array<i32>} : memref<8x2048xf32, #tpu.memory_space<vmem>>, vector<16xf32>,
        tpu.vector_store %arg9[%parallel_loop3A_735, %parallel_loop3A_736], %parallel_loop3A_731 {add = true, strides = array<i32>} : memref<8x2048xf32, #tpu.memory_space<vmem>>, vector<16xf32>,
      } {sc.loop_unroll_factor = 2 : i64, sc.parallel_access}
      %mul3A_325 = arith.constant 8 : i32
      %mul3A_326 = arith.muli %add3A_187, %mul3A_325 : i32
      %add3A_327 = arith.addi %mul3A_2, %mul3A_326 : i32
      %dma_start3A_328 = arith.constant 0 : i32
      %dma_start3A_329 = tpu.memref_slice %arg5[%add3A_327, %dma_start3A_328] : memref<16384x2048xf32, #tpu.memory_space<hbm>> -> memref<8x2048xf32, #tpu.memory_space<hbm>>
      %dma_start3A_330 = arith.constant 0 : i32
      %dma_start3A_331 = tpu.memref_slice %arg5[%add3A_327, %dma_start3A_330] : memref<16384x2048xf32, #tpu.memory_space<hbm>> -> memref<8x2048xf32, #tpu.memory_space<hbm>>
      tpu.enqueue_dma source(%arg9 : memref<8x2048xf32, #tpu.memory_space<vmem>>) target(%dma_start3A_331 : memref<8x2048xf32, #tpu.memory_space<hbm>>) target_semaphore(%arg17 : memref<!tpu.dma_semaphore, #tpu.memory_space<semaphore_mem>>)
      %add3A_332 = arith.constant 3 : i32
      %add3A_333 = arith.addi %add3A_187, %add3A_332 : i32
      %lt3A_334 = arith.constant 64 : i32
      %lt3A_335 = arith.cmpi slt, %add3A_333, %lt3A_334 : i32
      %convert_element_type3A_336 = arith.extui %lt3A_335 : i1 to i32
      %cond3A_337 = arith.constant 0 : i32
      %cond3A_338 = arith.cmpi ne, %convert_element_type3A_336, %cond3A_337 : i32
      scf.if %cond3A_338 {
        %ge3A = arith.constant 1 : i32
        %ge3A_649 = arith.cmpi sge, %add3A_187, %ge3A : i32
        %convert_element_type3A_650 = arith.extui %ge3A_649 : i1 to i32
        %cond3A_651 = arith.constant 0 : i32
        %cond3A_652 = arith.cmpi ne, %convert_element_type3A_650, %cond3A_651 : i32
        scf.if %cond3A_652 {
          %dma_wait3A_662 = arith.constant 0 : i32
          %dma_wait3A_663 = tpu.memref_slice %arg5[%mul3A_2, %dma_wait3A_662] : memref<16384x2048xf32, #tpu.memory_space<hbm>> -> memref<8x2048xf32, #tpu.memory_space<hbm>>
          %dma_wait3A_664 = arith.constant 0 : i32
          %dma_wait3A_665 = tpu.memref_slice %arg5[%mul3A_2, %dma_wait3A_664] : memref<16384x2048xf32, #tpu.memory_space<hbm>> -> memref<8x2048xf32, #tpu.memory_space<hbm>>
          tpu.wait_dma2 semaphore(%arg16 : memref<!tpu.dma_semaphore, #tpu.memory_space<semaphore_mem>>) src(%arg8 : memref<8x2048xf32, #tpu.memory_space<vmem>>) dst(%dma_wait3A_665 : memref<8x2048xf32, #tpu.memory_space<hbm>>)
        } else {
        }
        %add3A_653 = arith.constant 3 : i32
        %add3A_654 = arith.addi %add3A_187, %add3A_653 : i32
        %mul3A_655 = arith.constant 8 : i32
        %mul3A_656 = arith.muli %add3A_654, %mul3A_655 : i32
        %add3A_657 = arith.addi %mul3A_2, %mul3A_656 : i32
        %dma_start3A_658 = arith.constant 0 : i32
        %dma_start3A_659 = tpu.memref_slice %arg2[%add3A_657, %dma_start3A_658] : memref<16384x2048xf32, #tpu.memory_space<hbm>> -> memref<8x2048xf32, #tpu.memory_space<hbm>>
        %dma_start3A_660 = arith.constant 0 : i32
        %dma_start3A_661 = tpu.memref_slice %arg2[%add3A_657, %dma_start3A_660] : memref<16384x2048xf32, #tpu.memory_space<hbm>> -> memref<8x2048xf32, #tpu.memory_space<hbm>>
        tpu.enqueue_dma source(%dma_start3A_661 : memref<8x2048xf32, #tpu.memory_space<hbm>>) target(%arg8 : memref<8x2048xf32, #tpu.memory_space<vmem>>) target_semaphore(%arg12 : memref<!tpu.dma_semaphore, #tpu.memory_space<semaphore_mem>>)
      } else {
      }
      %mul3A_339 = arith.constant 4 : i32
      %mul3A_340 = arith.muli %scan3A_40, %mul3A_339 : i32
      %add3A_341 = arith.constant 2 : i32
      %add3A_342 = arith.addi %mul3A_340, %add3A_341 : i32
      %dma_wait3A_343 = arith.constant 0 : i32
      %dma_wait3A_344 = tpu.memref_slice %arg2[%mul3A_2, %dma_wait3A_343] : memref<16384x2048xf32, #tpu.memory_space<hbm>> -> memref<8x2048xf32, #tpu.memory_space<hbm>>
      %dma_wait3A_345 = arith.constant 0 : i32
      %dma_wait3A_346 = tpu.memref_slice %arg2[%mul3A_2, %dma_wait3A_345] : memref<16384x2048xf32, #tpu.memory_space<hbm>> -> memref<8x2048xf32, #tpu.memory_space<hbm>>
      tpu.wait_dma2 semaphore(%arg14 : memref<!tpu.dma_semaphore, #tpu.memory_space<semaphore_mem>>) src(%dma_wait3A_346 : memref<8x2048xf32, #tpu.memory_space<hbm>>) dst(%arg10 : memref<8x2048xf32, #tpu.memory_space<vmem>>)
      %div3A_347 = arith.constant 2 : i32
      %div3A_348 = arith.divsi %add3A_342, %div3A_347 : i32
      %mul3A_349 = arith.constant 16 : i32
      %mul3A_350 = arith.muli %div3A_348, %mul3A_349 : i32
      %get3A_351 = arith.index_cast %mul3A_350 : i32 to index
      %get3A_352 = tpu.vector_load %arg6[%get3A_351] {strides = array<i32>} : memref<512xi32, #tpu.memory_space<vmem>>, vector<16xi32>,
      %rem3A_353 = arith.constant 2 : i32
      %rem3A_354 = arith.remsi %add3A_342, %rem3A_353 : i32
      %mul3A_355 = arith.constant 8 : i32
      %mul3A_356 = arith.muli %rem3A_354, %mul3A_355 : i32
      %add3A_357 = arith.constant 0 : i32
      %add3A_358 = arith.addi %mul3A_356, %add3A_357 : i32
      %eq3A_359 = vector.broadcast %add3A_358 : i32 to vector<16xi32>
      %eq3A_360 = arith.cmpi eq, %iota3A, %eq3A_359 : vector<16xi32>
      %jit3A_361 = arith.constant 0 : i32
      %broadcast_in_dim3A_362 = vector.broadcast %jit3A_361 : i32 to vector<16xi32>
      %select_n3A_363 = arith.select %eq3A_360, %get3A_352, %broadcast_in_dim3A_362 : vector<16xi1>, vector<16xi32>
      %reduce_max3A_364 = arith.constant true
      %reduce_max3A_365 = vector.broadcast %reduce_max3A_364 : i1 to vector<16xi1>
      %reduce_max3A_366 = arith.constant -2147483648 : i32
      %reduce_max3A_367 = vector.broadcast %reduce_max3A_366 : i32 to vector<16xi32>
      %reduce_max3A_368 = arith.xori %select_n3A_363, %reduce_max3A_367 : vector<16xi32>
      %reduce_max3A_369 = tpu.scan <max>, %reduce_max3A_368 masked %reduce_max3A_365 : vector<16xi32>, vector<16xi1> -> vector<16xi32>
      %reduce_max3A_370 = arith.xori %reduce_max3A_369, %reduce_max3A_367 : vector<16xi32>
      %reduce_max3A_371 = vector.extract %reduce_max3A_370[15] : i32 from vector<16xi32>
      %add3A_372 = arith.constant 1 : i32
      %add3A_373 = arith.addi %mul3A_356, %add3A_372 : i32
      %eq3A_374 = vector.broadcast %add3A_373 : i32 to vector<16xi32>
      %eq3A_375 = arith.cmpi eq, %iota3A, %eq3A_374 : vector<16xi32>
      %jit3A_376 = arith.constant 0 : i32
      %broadcast_in_dim3A_377 = vector.broadcast %jit3A_376 : i32 to vector<16xi32>
      %select_n3A_378 = arith.select %eq3A_375, %get3A_352, %broadcast_in_dim3A_377 : vector<16xi1>, vector<16xi32>
      %reduce_max3A_379 = arith.constant true
      %reduce_max3A_380 = vector.broadcast %reduce_max3A_379 : i1 to vector<16xi1>
      %reduce_max3A_381 = arith.constant -2147483648 : i32
      %reduce_max3A_382 = vector.broadcast %reduce_max3A_381 : i32 to vector<16xi32>
      %reduce_max3A_383 = arith.xori %select_n3A_378, %reduce_max3A_382 : vector<16xi32>
      %reduce_max3A_384 = tpu.scan <max>, %reduce_max3A_383 masked %reduce_max3A_380 : vector<16xi32>, vector<16xi1> -> vector<16xi32>
      %reduce_max3A_385 = arith.xori %reduce_max3A_384, %reduce_max3A_382 : vector<16xi32>
      %reduce_max3A_386 = vector.extract %reduce_max3A_385[15] : i32 from vector<16xi32>
      %add3A_387 = arith.constant 2 : i32
      %add3A_388 = arith.addi %mul3A_356, %add3A_387 : i32
      %eq3A_389 = vector.broadcast %add3A_388 : i32 to vector<16xi32>
      %eq3A_390 = arith.cmpi eq, %iota3A, %eq3A_389 : vector<16xi32>
      %jit3A_391 = arith.constant 0 : i32
      %broadcast_in_dim3A_392 = vector.broadcast %jit3A_391 : i32 to vector<16xi32>
      %select_n3A_393 = arith.select %eq3A_390, %get3A_352, %broadcast_in_dim3A_392 : vector<16xi1>, vector<16xi32>
      %reduce_max3A_394 = arith.constant true
      %reduce_max3A_395 = vector.broadcast %reduce_max3A_394 : i1 to vector<16xi1>
      %reduce_max3A_396 = arith.constant -2147483648 : i32
      %reduce_max3A_397 = vector.broadcast %reduce_max3A_396 : i32 to vector<16xi32>
      %reduce_max3A_398 = arith.xori %select_n3A_393, %reduce_max3A_397 : vector<16xi32>
      %reduce_max3A_399 = tpu.scan <max>, %reduce_max3A_398 masked %reduce_max3A_395 : vector<16xi32>, vector<16xi1> -> vector<16xi32>
      %reduce_max3A_400 = arith.xori %reduce_max3A_399, %reduce_max3A_397 : vector<16xi32>
      %reduce_max3A_401 = vector.extract %reduce_max3A_400[15] : i32 from vector<16xi32>
      %add3A_402 = arith.constant 3 : i32
      %add3A_403 = arith.addi %mul3A_356, %add3A_402 : i32
      %eq3A_404 = vector.broadcast %add3A_403 : i32 to vector<16xi32>
      %eq3A_405 = arith.cmpi eq, %iota3A, %eq3A_404 : vector<16xi32>
      %jit3A_406 = arith.constant 0 : i32
      %broadcast_in_dim3A_407 = vector.broadcast %jit3A_406 : i32 to vector<16xi32>
      %select_n3A_408 = arith.select %eq3A_405, %get3A_352, %broadcast_in_dim3A_407 : vector<16xi1>, vector<16xi32>
      %reduce_max3A_409 = arith.constant true
      %reduce_max3A_410 = vector.broadcast %reduce_max3A_409 : i1 to vector<16xi1>
      %reduce_max3A_411 = arith.constant -2147483648 : i32
      %reduce_max3A_412 = vector.broadcast %reduce_max3A_411 : i32 to vector<16xi32>
      %reduce_max3A_413 = arith.xori %select_n3A_408, %reduce_max3A_412 : vector<16xi32>
      %reduce_max3A_414 = tpu.scan <max>, %reduce_max3A_413 masked %reduce_max3A_410 : vector<16xi32>, vector<16xi1> -> vector<16xi32>
      %reduce_max3A_415 = arith.xori %reduce_max3A_414, %reduce_max3A_412 : vector<16xi32>
      %reduce_max3A_416 = vector.extract %reduce_max3A_415[15] : i32 from vector<16xi32>
      %add3A_417 = arith.constant 4 : i32
      %add3A_418 = arith.addi %mul3A_356, %add3A_417 : i32
      %eq3A_419 = vector.broadcast %add3A_418 : i32 to vector<16xi32>
      %eq3A_420 = arith.cmpi eq, %iota3A, %eq3A_419 : vector<16xi32>
      %jit3A_421 = arith.constant 0 : i32
      %broadcast_in_dim3A_422 = vector.broadcast %jit3A_421 : i32 to vector<16xi32>
      %select_n3A_423 = arith.select %eq3A_420, %get3A_352, %broadcast_in_dim3A_422 : vector<16xi1>, vector<16xi32>
      %reduce_max3A_424 = arith.constant true
      %reduce_max3A_425 = vector.broadcast %reduce_max3A_424 : i1 to vector<16xi1>
      %reduce_max3A_426 = arith.constant -2147483648 : i32
      %reduce_max3A_427 = vector.broadcast %reduce_max3A_426 : i32 to vector<16xi32>
      %reduce_max3A_428 = arith.xori %select_n3A_423, %reduce_max3A_427 : vector<16xi32>
      %reduce_max3A_429 = tpu.scan <max>, %reduce_max3A_428 masked %reduce_max3A_425 : vector<16xi32>, vector<16xi1> -> vector<16xi32>
      %reduce_max3A_430 = arith.xori %reduce_max3A_429, %reduce_max3A_427 : vector<16xi32>
      %reduce_max3A_431 = vector.extract %reduce_max3A_430[15] : i32 from vector<16xi32>
      %add3A_432 = arith.constant 5 : i32
      %add3A_433 = arith.addi %mul3A_356, %add3A_432 : i32
      %eq3A_434 = vector.broadcast %add3A_433 : i32 to vector<16xi32>
      %eq3A_435 = arith.cmpi eq, %iota3A, %eq3A_434 : vector<16xi32>
      %jit3A_436 = arith.constant 0 : i32
      %broadcast_in_dim3A_437 = vector.broadcast %jit3A_436 : i32 to vector<16xi32>
      %select_n3A_438 = arith.select %eq3A_435, %get3A_352, %broadcast_in_dim3A_437 : vector<16xi1>, vector<16xi32>
      %reduce_max3A_439 = arith.constant true
      %reduce_max3A_440 = vector.broadcast %reduce_max3A_439 : i1 to vector<16xi1>
      %reduce_max3A_441 = arith.constant -2147483648 : i32
      %reduce_max3A_442 = vector.broadcast %reduce_max3A_441 : i32 to vector<16xi32>
      %reduce_max3A_443 = arith.xori %select_n3A_438, %reduce_max3A_442 : vector<16xi32>
      %reduce_max3A_444 = tpu.scan <max>, %reduce_max3A_443 masked %reduce_max3A_440 : vector<16xi32>, vector<16xi1> -> vector<16xi32>
      %reduce_max3A_445 = arith.xori %reduce_max3A_444, %reduce_max3A_442 : vector<16xi32>
      %reduce_max3A_446 = vector.extract %reduce_max3A_445[15] : i32 from vector<16xi32>
      %add3A_447 = arith.constant 6 : i32
      %add3A_448 = arith.addi %mul3A_356, %add3A_447 : i32
      %eq3A_449 = vector.broadcast %add3A_448 : i32 to vector<16xi32>
      %eq3A_450 = arith.cmpi eq, %iota3A, %eq3A_449 : vector<16xi32>
      %jit3A_451 = arith.constant 0 : i32
      %broadcast_in_dim3A_452 = vector.broadcast %jit3A_451 : i32 to vector<16xi32>
      %select_n3A_453 = arith.select %eq3A_450, %get3A_352, %broadcast_in_dim3A_452 : vector<16xi1>, vector<16xi32>
      %reduce_max3A_454 = arith.constant true
      %reduce_max3A_455 = vector.broadcast %reduce_max3A_454 : i1 to vector<16xi1>
      %reduce_max3A_456 = arith.constant -2147483648 : i32
      %reduce_max3A_457 = vector.broadcast %reduce_max3A_456 : i32 to vector<16xi32>
      %reduce_max3A_458 = arith.xori %select_n3A_453, %reduce_max3A_457 : vector<16xi32>
      %reduce_max3A_459 = tpu.scan <max>, %reduce_max3A_458 masked %reduce_max3A_455 : vector<16xi32>, vector<16xi1> -> vector<16xi32>
      %reduce_max3A_460 = arith.xori %reduce_max3A_459, %reduce_max3A_457 : vector<16xi32>
      %reduce_max3A_461 = vector.extract %reduce_max3A_460[15] : i32 from vector<16xi32>
      %add3A_462 = arith.constant 7 : i32
      %add3A_463 = arith.addi %mul3A_356, %add3A_462 : i32
      %eq3A_464 = vector.broadcast %add3A_463 : i32 to vector<16xi32>
      %eq3A_465 = arith.cmpi eq, %iota3A, %eq3A_464 : vector<16xi32>
      %jit3A_466 = arith.constant 0 : i32
      %broadcast_in_dim3A_467 = vector.broadcast %jit3A_466 : i32 to vector<16xi32>
      %select_n3A_468 = arith.select %eq3A_465, %get3A_352, %broadcast_in_dim3A_467 : vector<16xi1>, vector<16xi32>
      %reduce_max3A_469 = arith.constant true
      %reduce_max3A_470 = vector.broadcast %reduce_max3A_469 : i1 to vector<16xi1>
      %reduce_max3A_471 = arith.constant -2147483648 : i32
      %reduce_max3A_472 = vector.broadcast %reduce_max3A_471 : i32 to vector<16xi32>
      %reduce_max3A_473 = arith.xori %select_n3A_468, %reduce_max3A_472 : vector<16xi32>
      %reduce_max3A_474 = tpu.scan <max>, %reduce_max3A_473 masked %reduce_max3A_470 : vector<16xi32>, vector<16xi1> -> vector<16xi32>
      %reduce_max3A_475 = arith.xori %reduce_max3A_474, %reduce_max3A_472 : vector<16xi32>
      %reduce_max3A_476 = vector.extract %reduce_max3A_475[15] : i32 from vector<16xi32>
      %parallel_loop3A_477 = arith.constant 0 : i32
      %parallel_loop3A_478 = arith.constant 128 : i32
      %parallel_loop3A_479 = arith.constant 1 : i32
      scf.for %parallel_loop3A_649 = %parallel_loop3A_477 to %parallel_loop3A_478 step %parallel_loop3A_479  : i32 {
        %parallel_loop3A_650 = arith.constant 16 : i32
        %parallel_loop3A_651 = arith.muli %parallel_loop3A_649, %parallel_loop3A_650 : i32
        %parallel_loop3A_652 = arith.index_cast %reduce_max3A_371 : i32 to index
        %parallel_loop3A_653 = arith.index_cast %parallel_loop3A_651 : i32 to index
        %parallel_loop3A_654 = tpu.vector_load %arg7[%parallel_loop3A_652, %parallel_loop3A_653] {strides = array<i32>} : memref<12x2048xf32, #tpu.memory_space<vmem>>, vector<16xf32>,
        %parallel_loop3A_655 = arith.constant 16 : i32
        %parallel_loop3A_656 = arith.muli %parallel_loop3A_649, %parallel_loop3A_655 : i32
        %parallel_loop3A_657 = arith.constant 0 : i32
        %parallel_loop3A_658 = arith.index_cast %parallel_loop3A_657 : i32 to index
        %parallel_loop3A_659 = arith.index_cast %parallel_loop3A_656 : i32 to index
        %parallel_loop3A_660 = tpu.vector_load %arg10[%parallel_loop3A_658, %parallel_loop3A_659] {strides = array<i32>} : memref<8x2048xf32, #tpu.memory_space<vmem>>, vector<16xf32>,
        tpu.vector_store %arg10[%parallel_loop3A_658, %parallel_loop3A_659], %parallel_loop3A_654 {add = true, strides = array<i32>} : memref<8x2048xf32, #tpu.memory_space<vmem>>, vector<16xf32>,
        %parallel_loop3A_661 = arith.constant 16 : i32
        %parallel_loop3A_662 = arith.muli %parallel_loop3A_649, %parallel_loop3A_661 : i32
        %parallel_loop3A_663 = arith.index_cast %reduce_max3A_386 : i32 to index
        %parallel_loop3A_664 = arith.index_cast %parallel_loop3A_662 : i32 to index
        %parallel_loop3A_665 = tpu.vector_load %arg7[%parallel_loop3A_663, %parallel_loop3A_664] {strides = array<i32>} : memref<12x2048xf32, #tpu.memory_space<vmem>>, vector<16xf32>,
        %parallel_loop3A_666 = arith.constant 16 : i32
        %parallel_loop3A_667 = arith.muli %parallel_loop3A_649, %parallel_loop3A_666 : i32
        %parallel_loop3A_668 = arith.constant 1 : i32
        %parallel_loop3A_669 = arith.index_cast %parallel_loop3A_668 : i32 to index
        %parallel_loop3A_670 = arith.index_cast %parallel_loop3A_667 : i32 to index
        %parallel_loop3A_671 = tpu.vector_load %arg10[%parallel_loop3A_669, %parallel_loop3A_670] {strides = array<i32>} : memref<8x2048xf32, #tpu.memory_space<vmem>>, vector<16xf32>,
        tpu.vector_store %arg10[%parallel_loop3A_669, %parallel_loop3A_670], %parallel_loop3A_665 {add = true, strides = array<i32>} : memref<8x2048xf32, #tpu.memory_space<vmem>>, vector<16xf32>,
        %parallel_loop3A_672 = arith.constant 16 : i32
        %parallel_loop3A_673 = arith.muli %parallel_loop3A_649, %parallel_loop3A_672 : i32
        %parallel_loop3A_674 = arith.index_cast %reduce_max3A_401 : i32 to index
        %parallel_loop3A_675 = arith.index_cast %parallel_loop3A_673 : i32 to index
        %parallel_loop3A_676 = tpu.vector_load %arg7[%parallel_loop3A_674, %parallel_loop3A_675] {strides = array<i32>} : memref<12x2048xf32, #tpu.memory_space<vmem>>, vector<16xf32>,
        %parallel_loop3A_677 = arith.constant 16 : i32
        %parallel_loop3A_678 = arith.muli %parallel_loop3A_649, %parallel_loop3A_677 : i32
        %parallel_loop3A_679 = arith.constant 2 : i32
        %parallel_loop3A_680 = arith.index_cast %parallel_loop3A_679 : i32 to index
        %parallel_loop3A_681 = arith.index_cast %parallel_loop3A_678 : i32 to index
        %parallel_loop3A_682 = tpu.vector_load %arg10[%parallel_loop3A_680, %parallel_loop3A_681] {strides = array<i32>} : memref<8x2048xf32, #tpu.memory_space<vmem>>, vector<16xf32>,
        tpu.vector_store %arg10[%parallel_loop3A_680, %parallel_loop3A_681], %parallel_loop3A_676 {add = true, strides = array<i32>} : memref<8x2048xf32, #tpu.memory_space<vmem>>, vector<16xf32>,
        %parallel_loop3A_683 = arith.constant 16 : i32
        %parallel_loop3A_684 = arith.muli %parallel_loop3A_649, %parallel_loop3A_683 : i32
        %parallel_loop3A_685 = arith.index_cast %reduce_max3A_416 : i32 to index
        %parallel_loop3A_686 = arith.index_cast %parallel_loop3A_684 : i32 to index
        %parallel_loop3A_687 = tpu.vector_load %arg7[%parallel_loop3A_685, %parallel_loop3A_686] {strides = array<i32>} : memref<12x2048xf32, #tpu.memory_space<vmem>>, vector<16xf32>,
        %parallel_loop3A_688 = arith.constant 16 : i32
        %parallel_loop3A_689 = arith.muli %parallel_loop3A_649, %parallel_loop3A_688 : i32
        %parallel_loop3A_690 = arith.constant 3 : i32
        %parallel_loop3A_691 = arith.index_cast %parallel_loop3A_690 : i32 to index
        %parallel_loop3A_692 = arith.index_cast %parallel_loop3A_689 : i32 to index
        %parallel_loop3A_693 = tpu.vector_load %arg10[%parallel_loop3A_691, %parallel_loop3A_692] {strides = array<i32>} : memref<8x2048xf32, #tpu.memory_space<vmem>>, vector<16xf32>,
        tpu.vector_store %arg10[%parallel_loop3A_691, %parallel_loop3A_692], %parallel_loop3A_687 {add = true, strides = array<i32>} : memref<8x2048xf32, #tpu.memory_space<vmem>>, vector<16xf32>,
        %parallel_loop3A_694 = arith.constant 16 : i32
        %parallel_loop3A_695 = arith.muli %parallel_loop3A_649, %parallel_loop3A_694 : i32
        %parallel_loop3A_696 = arith.index_cast %reduce_max3A_431 : i32 to index
        %parallel_loop3A_697 = arith.index_cast %parallel_loop3A_695 : i32 to index
        %parallel_loop3A_698 = tpu.vector_load %arg7[%parallel_loop3A_696, %parallel_loop3A_697] {strides = array<i32>} : memref<12x2048xf32, #tpu.memory_space<vmem>>, vector<16xf32>,
        %parallel_loop3A_699 = arith.constant 16 : i32
        %parallel_loop3A_700 = arith.muli %parallel_loop3A_649, %parallel_loop3A_699 : i32
        %parallel_loop3A_701 = arith.constant 4 : i32
        %parallel_loop3A_702 = arith.index_cast %parallel_loop3A_701 : i32 to index
        %parallel_loop3A_703 = arith.index_cast %parallel_loop3A_700 : i32 to index
        %parallel_loop3A_704 = tpu.vector_load %arg10[%parallel_loop3A_702, %parallel_loop3A_703] {strides = array<i32>} : memref<8x2048xf32, #tpu.memory_space<vmem>>, vector<16xf32>,
        tpu.vector_store %arg10[%parallel_loop3A_702, %parallel_loop3A_703], %parallel_loop3A_698 {add = true, strides = array<i32>} : memref<8x2048xf32, #tpu.memory_space<vmem>>, vector<16xf32>,
        %parallel_loop3A_705 = arith.constant 16 : i32
        %parallel_loop3A_706 = arith.muli %parallel_loop3A_649, %parallel_loop3A_705 : i32
        %parallel_loop3A_707 = arith.index_cast %reduce_max3A_446 : i32 to index
        %parallel_loop3A_708 = arith.index_cast %parallel_loop3A_706 : i32 to index
        %parallel_loop3A_709 = tpu.vector_load %arg7[%parallel_loop3A_707, %parallel_loop3A_708] {strides = array<i32>} : memref<12x2048xf32, #tpu.memory_space<vmem>>, vector<16xf32>,
        %parallel_loop3A_710 = arith.constant 16 : i32
        %parallel_loop3A_711 = arith.muli %parallel_loop3A_649, %parallel_loop3A_710 : i32
        %parallel_loop3A_712 = arith.constant 5 : i32
        %parallel_loop3A_713 = arith.index_cast %parallel_loop3A_712 : i32 to index
        %parallel_loop3A_714 = arith.index_cast %parallel_loop3A_711 : i32 to index
        %parallel_loop3A_715 = tpu.vector_load %arg10[%parallel_loop3A_713, %parallel_loop3A_714] {strides = array<i32>} : memref<8x2048xf32, #tpu.memory_space<vmem>>, vector<16xf32>,
        tpu.vector_store %arg10[%parallel_loop3A_713, %parallel_loop3A_714], %parallel_loop3A_709 {add = true, strides = array<i32>} : memref<8x2048xf32, #tpu.memory_space<vmem>>, vector<16xf32>,
        %parallel_loop3A_716 = arith.constant 16 : i32
        %parallel_loop3A_717 = arith.muli %parallel_loop3A_649, %parallel_loop3A_716 : i32
        %parallel_loop3A_718 = arith.index_cast %reduce_max3A_461 : i32 to index
        %parallel_loop3A_719 = arith.index_cast %parallel_loop3A_717 : i32 to index
        %parallel_loop3A_720 = tpu.vector_load %arg7[%parallel_loop3A_718, %parallel_loop3A_719] {strides = array<i32>} : memref<12x2048xf32, #tpu.memory_space<vmem>>, vector<16xf32>,
        %parallel_loop3A_721 = arith.constant 16 : i32
        %parallel_loop3A_722 = arith.muli %parallel_loop3A_649, %parallel_loop3A_721 : i32
        %parallel_loop3A_723 = arith.constant 6 : i32
        %parallel_loop3A_724 = arith.index_cast %parallel_loop3A_723 : i32 to index
        %parallel_loop3A_725 = arith.index_cast %parallel_loop3A_722 : i32 to index
        %parallel_loop3A_726 = tpu.vector_load %arg10[%parallel_loop3A_724, %parallel_loop3A_725] {strides = array<i32>} : memref<8x2048xf32, #tpu.memory_space<vmem>>, vector<16xf32>,
        tpu.vector_store %arg10[%parallel_loop3A_724, %parallel_loop3A_725], %parallel_loop3A_720 {add = true, strides = array<i32>} : memref<8x2048xf32, #tpu.memory_space<vmem>>, vector<16xf32>,
        %parallel_loop3A_727 = arith.constant 16 : i32
        %parallel_loop3A_728 = arith.muli %parallel_loop3A_649, %parallel_loop3A_727 : i32
        %parallel_loop3A_729 = arith.index_cast %reduce_max3A_476 : i32 to index
        %parallel_loop3A_730 = arith.index_cast %parallel_loop3A_728 : i32 to index
        %parallel_loop3A_731 = tpu.vector_load %arg7[%parallel_loop3A_729, %parallel_loop3A_730] {strides = array<i32>} : memref<12x2048xf32, #tpu.memory_space<vmem>>, vector<16xf32>,
        %parallel_loop3A_732 = arith.constant 16 : i32
        %parallel_loop3A_733 = arith.muli %parallel_loop3A_649, %parallel_loop3A_732 : i32
        %parallel_loop3A_734 = arith.constant 7 : i32
        %parallel_loop3A_735 = arith.index_cast %parallel_loop3A_734 : i32 to index
        %parallel_loop3A_736 = arith.index_cast %parallel_loop3A_733 : i32 to index
        %parallel_loop3A_737 = tpu.vector_load %arg10[%parallel_loop3A_735, %parallel_loop3A_736] {strides = array<i32>} : memref<8x2048xf32, #tpu.memory_space<vmem>>, vector<16xf32>,
        tpu.vector_store %arg10[%parallel_loop3A_735, %parallel_loop3A_736], %parallel_loop3A_731 {add = true, strides = array<i32>} : memref<8x2048xf32, #tpu.memory_space<vmem>>, vector<16xf32>,
      } {sc.loop_unroll_factor = 2 : i64, sc.parallel_access}
      %mul3A_480 = arith.constant 8 : i32
      %mul3A_481 = arith.muli %add3A_342, %mul3A_480 : i32
      %add3A_482 = arith.addi %mul3A_2, %mul3A_481 : i32
      %dma_start3A_483 = arith.constant 0 : i32
      %dma_start3A_484 = tpu.memref_slice %arg5[%add3A_482, %dma_start3A_483] : memref<16384x2048xf32, #tpu.memory_space<hbm>> -> memref<8x2048xf32, #tpu.memory_space<hbm>>
      %dma_start3A_485 = arith.constant 0 : i32
      %dma_start3A_486 = tpu.memref_slice %arg5[%add3A_482, %dma_start3A_485] : memref<16384x2048xf32, #tpu.memory_space<hbm>> -> memref<8x2048xf32, #tpu.memory_space<hbm>>
      tpu.enqueue_dma source(%arg10 : memref<8x2048xf32, #tpu.memory_space<vmem>>) target(%dma_start3A_486 : memref<8x2048xf32, #tpu.memory_space<hbm>>) target_semaphore(%arg18 : memref<!tpu.dma_semaphore, #tpu.memory_space<semaphore_mem>>)
      %add3A_487 = arith.constant 3 : i32
      %add3A_488 = arith.addi %add3A_342, %add3A_487 : i32
      %lt3A_489 = arith.constant 64 : i32
      %lt3A_490 = arith.cmpi slt, %add3A_488, %lt3A_489 : i32
      %convert_element_type3A_491 = arith.extui %lt3A_490 : i1 to i32
      %cond3A_492 = arith.constant 0 : i32
      %cond3A_493 = arith.cmpi ne, %convert_element_type3A_491, %cond3A_492 : i32
      scf.if %cond3A_493 {
        %ge3A = arith.constant 1 : i32
        %ge3A_649 = arith.cmpi sge, %add3A_342, %ge3A : i32
        %convert_element_type3A_650 = arith.extui %ge3A_649 : i1 to i32
        %cond3A_651 = arith.constant 0 : i32
        %cond3A_652 = arith.cmpi ne, %convert_element_type3A_650, %cond3A_651 : i32
        scf.if %cond3A_652 {
          %dma_wait3A_662 = arith.constant 0 : i32
          %dma_wait3A_663 = tpu.memref_slice %arg5[%mul3A_2, %dma_wait3A_662] : memref<16384x2048xf32, #tpu.memory_space<hbm>> -> memref<8x2048xf32, #tpu.memory_space<hbm>>
          %dma_wait3A_664 = arith.constant 0 : i32
          %dma_wait3A_665 = tpu.memref_slice %arg5[%mul3A_2, %dma_wait3A_664] : memref<16384x2048xf32, #tpu.memory_space<hbm>> -> memref<8x2048xf32, #tpu.memory_space<hbm>>
          tpu.wait_dma2 semaphore(%arg17 : memref<!tpu.dma_semaphore, #tpu.memory_space<semaphore_mem>>) src(%arg9 : memref<8x2048xf32, #tpu.memory_space<vmem>>) dst(%dma_wait3A_665 : memref<8x2048xf32, #tpu.memory_space<hbm>>)
        } else {
        }
        %add3A_653 = arith.constant 3 : i32
        %add3A_654 = arith.addi %add3A_342, %add3A_653 : i32
        %mul3A_655 = arith.constant 8 : i32
        %mul3A_656 = arith.muli %add3A_654, %mul3A_655 : i32
        %add3A_657 = arith.addi %mul3A_2, %mul3A_656 : i32
        %dma_start3A_658 = arith.constant 0 : i32
        %dma_start3A_659 = tpu.memref_slice %arg2[%add3A_657, %dma_start3A_658] : memref<16384x2048xf32, #tpu.memory_space<hbm>> -> memref<8x2048xf32, #tpu.memory_space<hbm>>
        %dma_start3A_660 = arith.constant 0 : i32
        %dma_start3A_661 = tpu.memref_slice %arg2[%add3A_657, %dma_start3A_660] : memref<16384x2048xf32, #tpu.memory_space<hbm>> -> memref<8x2048xf32, #tpu.memory_space<hbm>>
        tpu.enqueue_dma source(%dma_start3A_661 : memref<8x2048xf32, #tpu.memory_space<hbm>>) target(%arg9 : memref<8x2048xf32, #tpu.memory_space<vmem>>) target_semaphore(%arg13 : memref<!tpu.dma_semaphore, #tpu.memory_space<semaphore_mem>>)
      } else {
      }
      %mul3A_494 = arith.constant 4 : i32
      %mul3A_495 = arith.muli %scan3A_40, %mul3A_494 : i32
      %add3A_496 = arith.constant 3 : i32
      %add3A_497 = arith.addi %mul3A_495, %add3A_496 : i32
      %dma_wait3A_498 = arith.constant 0 : i32
      %dma_wait3A_499 = tpu.memref_slice %arg2[%mul3A_2, %dma_wait3A_498] : memref<16384x2048xf32, #tpu.memory_space<hbm>> -> memref<8x2048xf32, #tpu.memory_space<hbm>>
      %dma_wait3A_500 = arith.constant 0 : i32
      %dma_wait3A_501 = tpu.memref_slice %arg2[%mul3A_2, %dma_wait3A_500] : memref<16384x2048xf32, #tpu.memory_space<hbm>> -> memref<8x2048xf32, #tpu.memory_space<hbm>>
      tpu.wait_dma2 semaphore(%arg15 : memref<!tpu.dma_semaphore, #tpu.memory_space<semaphore_mem>>) src(%dma_wait3A_501 : memref<8x2048xf32, #tpu.memory_space<hbm>>) dst(%arg11 : memref<8x2048xf32, #tpu.memory_space<vmem>>)
      %div3A_502 = arith.constant 2 : i32
      %div3A_503 = arith.divsi %add3A_497, %div3A_502 : i32
      %mul3A_504 = arith.constant 16 : i32
      %mul3A_505 = arith.muli %div3A_503, %mul3A_504 : i32
      %get3A_506 = arith.index_cast %mul3A_505 : i32 to index
      %get3A_507 = tpu.vector_load %arg6[%get3A_506] {strides = array<i32>} : memref<512xi32, #tpu.memory_space<vmem>>, vector<16xi32>,
      %rem3A_508 = arith.constant 2 : i32
      %rem3A_509 = arith.remsi %add3A_497, %rem3A_508 : i32
      %mul3A_510 = arith.constant 8 : i32
      %mul3A_511 = arith.muli %rem3A_509, %mul3A_510 : i32
      %add3A_512 = arith.constant 0 : i32
      %add3A_513 = arith.addi %mul3A_511, %add3A_512 : i32
      %eq3A_514 = vector.broadcast %add3A_513 : i32 to vector<16xi32>
      %eq3A_515 = arith.cmpi eq, %iota3A, %eq3A_514 : vector<16xi32>
      %jit3A_516 = arith.constant 0 : i32
      %broadcast_in_dim3A_517 = vector.broadcast %jit3A_516 : i32 to vector<16xi32>
      %select_n3A_518 = arith.select %eq3A_515, %get3A_507, %broadcast_in_dim3A_517 : vector<16xi1>, vector<16xi32>
      %reduce_max3A_519 = arith.constant true
      %reduce_max3A_520 = vector.broadcast %reduce_max3A_519 : i1 to vector<16xi1>
      %reduce_max3A_521 = arith.constant -2147483648 : i32
      %reduce_max3A_522 = vector.broadcast %reduce_max3A_521 : i32 to vector<16xi32>
      %reduce_max3A_523 = arith.xori %select_n3A_518, %reduce_max3A_522 : vector<16xi32>
      %reduce_max3A_524 = tpu.scan <max>, %reduce_max3A_523 masked %reduce_max3A_520 : vector<16xi32>, vector<16xi1> -> vector<16xi32>
      %reduce_max3A_525 = arith.xori %reduce_max3A_524, %reduce_max3A_522 : vector<16xi32>
      %reduce_max3A_526 = vector.extract %reduce_max3A_525[15] : i32 from vector<16xi32>
      %add3A_527 = arith.constant 1 : i32
      %add3A_528 = arith.addi %mul3A_511, %add3A_527 : i32
      %eq3A_529 = vector.broadcast %add3A_528 : i32 to vector<16xi32>
      %eq3A_530 = arith.cmpi eq, %iota3A, %eq3A_529 : vector<16xi32>
      %jit3A_531 = arith.constant 0 : i32
      %broadcast_in_dim3A_532 = vector.broadcast %jit3A_531 : i32 to vector<16xi32>
      %select_n3A_533 = arith.select %eq3A_530, %get3A_507, %broadcast_in_dim3A_532 : vector<16xi1>, vector<16xi32>
      %reduce_max3A_534 = arith.constant true
      %reduce_max3A_535 = vector.broadcast %reduce_max3A_534 : i1 to vector<16xi1>
      %reduce_max3A_536 = arith.constant -2147483648 : i32
      %reduce_max3A_537 = vector.broadcast %reduce_max3A_536 : i32 to vector<16xi32>
      %reduce_max3A_538 = arith.xori %select_n3A_533, %reduce_max3A_537 : vector<16xi32>
      %reduce_max3A_539 = tpu.scan <max>, %reduce_max3A_538 masked %reduce_max3A_535 : vector<16xi32>, vector<16xi1> -> vector<16xi32>
      %reduce_max3A_540 = arith.xori %reduce_max3A_539, %reduce_max3A_537 : vector<16xi32>
      %reduce_max3A_541 = vector.extract %reduce_max3A_540[15] : i32 from vector<16xi32>
      %add3A_542 = arith.constant 2 : i32
      %add3A_543 = arith.addi %mul3A_511, %add3A_542 : i32
      %eq3A_544 = vector.broadcast %add3A_543 : i32 to vector<16xi32>
      %eq3A_545 = arith.cmpi eq, %iota3A, %eq3A_544 : vector<16xi32>
      %jit3A_546 = arith.constant 0 : i32
      %broadcast_in_dim3A_547 = vector.broadcast %jit3A_546 : i32 to vector<16xi32>
      %select_n3A_548 = arith.select %eq3A_545, %get3A_507, %broadcast_in_dim3A_547 : vector<16xi1>, vector<16xi32>
      %reduce_max3A_549 = arith.constant true
      %reduce_max3A_550 = vector.broadcast %reduce_max3A_549 : i1 to vector<16xi1>
      %reduce_max3A_551 = arith.constant -2147483648 : i32
      %reduce_max3A_552 = vector.broadcast %reduce_max3A_551 : i32 to vector<16xi32>
      %reduce_max3A_553 = arith.xori %select_n3A_548, %reduce_max3A_552 : vector<16xi32>
      %reduce_max3A_554 = tpu.scan <max>, %reduce_max3A_553 masked %reduce_max3A_550 : vector<16xi32>, vector<16xi1> -> vector<16xi32>
      %reduce_max3A_555 = arith.xori %reduce_max3A_554, %reduce_max3A_552 : vector<16xi32>
      %reduce_max3A_556 = vector.extract %reduce_max3A_555[15] : i32 from vector<16xi32>
      %add3A_557 = arith.constant 3 : i32
      %add3A_558 = arith.addi %mul3A_511, %add3A_557 : i32
      %eq3A_559 = vector.broadcast %add3A_558 : i32 to vector<16xi32>
      %eq3A_560 = arith.cmpi eq, %iota3A, %eq3A_559 : vector<16xi32>
      %jit3A_561 = arith.constant 0 : i32
      %broadcast_in_dim3A_562 = vector.broadcast %jit3A_561 : i32 to vector<16xi32>
      %select_n3A_563 = arith.select %eq3A_560, %get3A_507, %broadcast_in_dim3A_562 : vector<16xi1>, vector<16xi32>
      %reduce_max3A_564 = arith.constant true
      %reduce_max3A_565 = vector.broadcast %reduce_max3A_564 : i1 to vector<16xi1>
      %reduce_max3A_566 = arith.constant -2147483648 : i32
      %reduce_max3A_567 = vector.broadcast %reduce_max3A_566 : i32 to vector<16xi32>
      %reduce_max3A_568 = arith.xori %select_n3A_563, %reduce_max3A_567 : vector<16xi32>
      %reduce_max3A_569 = tpu.scan <max>, %reduce_max3A_568 masked %reduce_max3A_565 : vector<16xi32>, vector<16xi1> -> vector<16xi32>
      %reduce_max3A_570 = arith.xori %reduce_max3A_569, %reduce_max3A_567 : vector<16xi32>
      %reduce_max3A_571 = vector.extract %reduce_max3A_570[15] : i32 from vector<16xi32>
      %add3A_572 = arith.constant 4 : i32
      %add3A_573 = arith.addi %mul3A_511, %add3A_572 : i32
      %eq3A_574 = vector.broadcast %add3A_573 : i32 to vector<16xi32>
      %eq3A_575 = arith.cmpi eq, %iota3A, %eq3A_574 : vector<16xi32>
      %jit3A_576 = arith.constant 0 : i32
      %broadcast_in_dim3A_577 = vector.broadcast %jit3A_576 : i32 to vector<16xi32>
      %select_n3A_578 = arith.select %eq3A_575, %get3A_507, %broadcast_in_dim3A_577 : vector<16xi1>, vector<16xi32>
      %reduce_max3A_579 = arith.constant true
      %reduce_max3A_580 = vector.broadcast %reduce_max3A_579 : i1 to vector<16xi1>
      %reduce_max3A_581 = arith.constant -2147483648 : i32
      %reduce_max3A_582 = vector.broadcast %reduce_max3A_581 : i32 to vector<16xi32>
      %reduce_max3A_583 = arith.xori %select_n3A_578, %reduce_max3A_582 : vector<16xi32>
      %reduce_max3A_584 = tpu.scan <max>, %reduce_max3A_583 masked %reduce_max3A_580 : vector<16xi32>, vector<16xi1> -> vector<16xi32>
      %reduce_max3A_585 = arith.xori %reduce_max3A_584, %reduce_max3A_582 : vector<16xi32>
      %reduce_max3A_586 = vector.extract %reduce_max3A_585[15] : i32 from vector<16xi32>
      %add3A_587 = arith.constant 5 : i32
      %add3A_588 = arith.addi %mul3A_511, %add3A_587 : i32
      %eq3A_589 = vector.broadcast %add3A_588 : i32 to vector<16xi32>
      %eq3A_590 = arith.cmpi eq, %iota3A, %eq3A_589 : vector<16xi32>
      %jit3A_591 = arith.constant 0 : i32
      %broadcast_in_dim3A_592 = vector.broadcast %jit3A_591 : i32 to vector<16xi32>
      %select_n3A_593 = arith.select %eq3A_590, %get3A_507, %broadcast_in_dim3A_592 : vector<16xi1>, vector<16xi32>
      %reduce_max3A_594 = arith.constant true
      %reduce_max3A_595 = vector.broadcast %reduce_max3A_594 : i1 to vector<16xi1>
      %reduce_max3A_596 = arith.constant -2147483648 : i32
      %reduce_max3A_597 = vector.broadcast %reduce_max3A_596 : i32 to vector<16xi32>
      %reduce_max3A_598 = arith.xori %select_n3A_593, %reduce_max3A_597 : vector<16xi32>
      %reduce_max3A_599 = tpu.scan <max>, %reduce_max3A_598 masked %reduce_max3A_595 : vector<16xi32>, vector<16xi1> -> vector<16xi32>
      %reduce_max3A_600 = arith.xori %reduce_max3A_599, %reduce_max3A_597 : vector<16xi32>
      %reduce_max3A_601 = vector.extract %reduce_max3A_600[15] : i32 from vector<16xi32>
      %add3A_602 = arith.constant 6 : i32
      %add3A_603 = arith.addi %mul3A_511, %add3A_602 : i32
      %eq3A_604 = vector.broadcast %add3A_603 : i32 to vector<16xi32>
      %eq3A_605 = arith.cmpi eq, %iota3A, %eq3A_604 : vector<16xi32>
      %jit3A_606 = arith.constant 0 : i32
      %broadcast_in_dim3A_607 = vector.broadcast %jit3A_606 : i32 to vector<16xi32>
      %select_n3A_608 = arith.select %eq3A_605, %get3A_507, %broadcast_in_dim3A_607 : vector<16xi1>, vector<16xi32>
      %reduce_max3A_609 = arith.constant true
      %reduce_max3A_610 = vector.broadcast %reduce_max3A_609 : i1 to vector<16xi1>
      %reduce_max3A_611 = arith.constant -2147483648 : i32
      %reduce_max3A_612 = vector.broadcast %reduce_max3A_611 : i32 to vector<16xi32>
      %reduce_max3A_613 = arith.xori %select_n3A_608, %reduce_max3A_612 : vector<16xi32>
      %reduce_max3A_614 = tpu.scan <max>, %reduce_max3A_613 masked %reduce_max3A_610 : vector<16xi32>, vector<16xi1> -> vector<16xi32>
      %reduce_max3A_615 = arith.xori %reduce_max3A_614, %reduce_max3A_612 : vector<16xi32>
      %reduce_max3A_616 = vector.extract %reduce_max3A_615[15] : i32 from vector<16xi32>
      %add3A_617 = arith.constant 7 : i32
      %add3A_618 = arith.addi %mul3A_511, %add3A_617 : i32
      %eq3A_619 = vector.broadcast %add3A_618 : i32 to vector<16xi32>
      %eq3A_620 = arith.cmpi eq, %iota3A, %eq3A_619 : vector<16xi32>
      %jit3A_621 = arith.constant 0 : i32
      %broadcast_in_dim3A_622 = vector.broadcast %jit3A_621 : i32 to vector<16xi32>
      %select_n3A_623 = arith.select %eq3A_620, %get3A_507, %broadcast_in_dim3A_622 : vector<16xi1>, vector<16xi32>
      %reduce_max3A_624 = arith.constant true
      %reduce_max3A_625 = vector.broadcast %reduce_max3A_624 : i1 to vector<16xi1>
      %reduce_max3A_626 = arith.constant -2147483648 : i32
      %reduce_max3A_627 = vector.broadcast %reduce_max3A_626 : i32 to vector<16xi32>
      %reduce_max3A_628 = arith.xori %select_n3A_623, %reduce_max3A_627 : vector<16xi32>
      %reduce_max3A_629 = tpu.scan <max>, %reduce_max3A_628 masked %reduce_max3A_625 : vector<16xi32>, vector<16xi1> -> vector<16xi32>
      %reduce_max3A_630 = arith.xori %reduce_max3A_629, %reduce_max3A_627 : vector<16xi32>
      %reduce_max3A_631 = vector.extract %reduce_max3A_630[15] : i32 from vector<16xi32>
      %parallel_loop3A_632 = arith.constant 0 : i32
      %parallel_loop3A_633 = arith.constant 128 : i32
      %parallel_loop3A_634 = arith.constant 1 : i32
      scf.for %parallel_loop3A_649 = %parallel_loop3A_632 to %parallel_loop3A_633 step %parallel_loop3A_634  : i32 {
        %parallel_loop3A_650 = arith.constant 16 : i32
        %parallel_loop3A_651 = arith.muli %parallel_loop3A_649, %parallel_loop3A_650 : i32
        %parallel_loop3A_652 = arith.index_cast %reduce_max3A_526 : i32 to index
        %parallel_loop3A_653 = arith.index_cast %parallel_loop3A_651 : i32 to index
        %parallel_loop3A_654 = tpu.vector_load %arg7[%parallel_loop3A_652, %parallel_loop3A_653] {strides = array<i32>} : memref<12x2048xf32, #tpu.memory_space<vmem>>, vector<16xf32>,
        %parallel_loop3A_655 = arith.constant 16 : i32
        %parallel_loop3A_656 = arith.muli %parallel_loop3A_649, %parallel_loop3A_655 : i32
        %parallel_loop3A_657 = arith.constant 0 : i32
        %parallel_loop3A_658 = arith.index_cast %parallel_loop3A_657 : i32 to index
        %parallel_loop3A_659 = arith.index_cast %parallel_loop3A_656 : i32 to index
        %parallel_loop3A_660 = tpu.vector_load %arg11[%parallel_loop3A_658, %parallel_loop3A_659] {strides = array<i32>} : memref<8x2048xf32, #tpu.memory_space<vmem>>, vector<16xf32>,
        tpu.vector_store %arg11[%parallel_loop3A_658, %parallel_loop3A_659], %parallel_loop3A_654 {add = true, strides = array<i32>} : memref<8x2048xf32, #tpu.memory_space<vmem>>, vector<16xf32>,
        %parallel_loop3A_661 = arith.constant 16 : i32
        %parallel_loop3A_662 = arith.muli %parallel_loop3A_649, %parallel_loop3A_661 : i32
        %parallel_loop3A_663 = arith.index_cast %reduce_max3A_541 : i32 to index
        %parallel_loop3A_664 = arith.index_cast %parallel_loop3A_662 : i32 to index
        %parallel_loop3A_665 = tpu.vector_load %arg7[%parallel_loop3A_663, %parallel_loop3A_664] {strides = array<i32>} : memref<12x2048xf32, #tpu.memory_space<vmem>>, vector<16xf32>,
        %parallel_loop3A_666 = arith.constant 16 : i32
        %parallel_loop3A_667 = arith.muli %parallel_loop3A_649, %parallel_loop3A_666 : i32
        %parallel_loop3A_668 = arith.constant 1 : i32
        %parallel_loop3A_669 = arith.index_cast %parallel_loop3A_668 : i32 to index
        %parallel_loop3A_670 = arith.index_cast %parallel_loop3A_667 : i32 to index
        %parallel_loop3A_671 = tpu.vector_load %arg11[%parallel_loop3A_669, %parallel_loop3A_670] {strides = array<i32>} : memref<8x2048xf32, #tpu.memory_space<vmem>>, vector<16xf32>,
        tpu.vector_store %arg11[%parallel_loop3A_669, %parallel_loop3A_670], %parallel_loop3A_665 {add = true, strides = array<i32>} : memref<8x2048xf32, #tpu.memory_space<vmem>>, vector<16xf32>,
        %parallel_loop3A_672 = arith.constant 16 : i32
        %parallel_loop3A_673 = arith.muli %parallel_loop3A_649, %parallel_loop3A_672 : i32
        %parallel_loop3A_674 = arith.index_cast %reduce_max3A_556 : i32 to index
        %parallel_loop3A_675 = arith.index_cast %parallel_loop3A_673 : i32 to index
        %parallel_loop3A_676 = tpu.vector_load %arg7[%parallel_loop3A_674, %parallel_loop3A_675] {strides = array<i32>} : memref<12x2048xf32, #tpu.memory_space<vmem>>, vector<16xf32>,
        %parallel_loop3A_677 = arith.constant 16 : i32
        %parallel_loop3A_678 = arith.muli %parallel_loop3A_649, %parallel_loop3A_677 : i32
        %parallel_loop3A_679 = arith.constant 2 : i32
        %parallel_loop3A_680 = arith.index_cast %parallel_loop3A_679 : i32 to index
        %parallel_loop3A_681 = arith.index_cast %parallel_loop3A_678 : i32 to index
        %parallel_loop3A_682 = tpu.vector_load %arg11[%parallel_loop3A_680, %parallel_loop3A_681] {strides = array<i32>} : memref<8x2048xf32, #tpu.memory_space<vmem>>, vector<16xf32>,
        tpu.vector_store %arg11[%parallel_loop3A_680, %parallel_loop3A_681], %parallel_loop3A_676 {add = true, strides = array<i32>} : memref<8x2048xf32, #tpu.memory_space<vmem>>, vector<16xf32>,
        %parallel_loop3A_683 = arith.constant 16 : i32
        %parallel_loop3A_684 = arith.muli %parallel_loop3A_649, %parallel_loop3A_683 : i32
        %parallel_loop3A_685 = arith.index_cast %reduce_max3A_571 : i32 to index
        %parallel_loop3A_686 = arith.index_cast %parallel_loop3A_684 : i32 to index
        %parallel_loop3A_687 = tpu.vector_load %arg7[%parallel_loop3A_685, %parallel_loop3A_686] {strides = array<i32>} : memref<12x2048xf32, #tpu.memory_space<vmem>>, vector<16xf32>,
        %parallel_loop3A_688 = arith.constant 16 : i32
        %parallel_loop3A_689 = arith.muli %parallel_loop3A_649, %parallel_loop3A_688 : i32
        %parallel_loop3A_690 = arith.constant 3 : i32
        %parallel_loop3A_691 = arith.index_cast %parallel_loop3A_690 : i32 to index
        %parallel_loop3A_692 = arith.index_cast %parallel_loop3A_689 : i32 to index
        %parallel_loop3A_693 = tpu.vector_load %arg11[%parallel_loop3A_691, %parallel_loop3A_692] {strides = array<i32>} : memref<8x2048xf32, #tpu.memory_space<vmem>>, vector<16xf32>,
        tpu.vector_store %arg11[%parallel_loop3A_691, %parallel_loop3A_692], %parallel_loop3A_687 {add = true, strides = array<i32>} : memref<8x2048xf32, #tpu.memory_space<vmem>>, vector<16xf32>,
        %parallel_loop3A_694 = arith.constant 16 : i32
        %parallel_loop3A_695 = arith.muli %parallel_loop3A_649, %parallel_loop3A_694 : i32
        %parallel_loop3A_696 = arith.index_cast %reduce_max3A_586 : i32 to index
        %parallel_loop3A_697 = arith.index_cast %parallel_loop3A_695 : i32 to index
        %parallel_loop3A_698 = tpu.vector_load %arg7[%parallel_loop3A_696, %parallel_loop3A_697] {strides = array<i32>} : memref<12x2048xf32, #tpu.memory_space<vmem>>, vector<16xf32>,
        %parallel_loop3A_699 = arith.constant 16 : i32
        %parallel_loop3A_700 = arith.muli %parallel_loop3A_649, %parallel_loop3A_699 : i32
        %parallel_loop3A_701 = arith.constant 4 : i32
        %parallel_loop3A_702 = arith.index_cast %parallel_loop3A_701 : i32 to index
        %parallel_loop3A_703 = arith.index_cast %parallel_loop3A_700 : i32 to index
        %parallel_loop3A_704 = tpu.vector_load %arg11[%parallel_loop3A_702, %parallel_loop3A_703] {strides = array<i32>} : memref<8x2048xf32, #tpu.memory_space<vmem>>, vector<16xf32>,
        tpu.vector_store %arg11[%parallel_loop3A_702, %parallel_loop3A_703], %parallel_loop3A_698 {add = true, strides = array<i32>} : memref<8x2048xf32, #tpu.memory_space<vmem>>, vector<16xf32>,
        %parallel_loop3A_705 = arith.constant 16 : i32
        %parallel_loop3A_706 = arith.muli %parallel_loop3A_649, %parallel_loop3A_705 : i32
        %parallel_loop3A_707 = arith.index_cast %reduce_max3A_601 : i32 to index
        %parallel_loop3A_708 = arith.index_cast %parallel_loop3A_706 : i32 to index
        %parallel_loop3A_709 = tpu.vector_load %arg7[%parallel_loop3A_707, %parallel_loop3A_708] {strides = array<i32>} : memref<12x2048xf32, #tpu.memory_space<vmem>>, vector<16xf32>,
        %parallel_loop3A_710 = arith.constant 16 : i32
        %parallel_loop3A_711 = arith.muli %parallel_loop3A_649, %parallel_loop3A_710 : i32
        %parallel_loop3A_712 = arith.constant 5 : i32
        %parallel_loop3A_713 = arith.index_cast %parallel_loop3A_712 : i32 to index
        %parallel_loop3A_714 = arith.index_cast %parallel_loop3A_711 : i32 to index
        %parallel_loop3A_715 = tpu.vector_load %arg11[%parallel_loop3A_713, %parallel_loop3A_714] {strides = array<i32>} : memref<8x2048xf32, #tpu.memory_space<vmem>>, vector<16xf32>,
        tpu.vector_store %arg11[%parallel_loop3A_713, %parallel_loop3A_714], %parallel_loop3A_709 {add = true, strides = array<i32>} : memref<8x2048xf32, #tpu.memory_space<vmem>>, vector<16xf32>,
        %parallel_loop3A_716 = arith.constant 16 : i32
        %parallel_loop3A_717 = arith.muli %parallel_loop3A_649, %parallel_loop3A_716 : i32
        %parallel_loop3A_718 = arith.index_cast %reduce_max3A_616 : i32 to index
        %parallel_loop3A_719 = arith.index_cast %parallel_loop3A_717 : i32 to index
        %parallel_loop3A_720 = tpu.vector_load %arg7[%parallel_loop3A_718, %parallel_loop3A_719] {strides = array<i32>} : memref<12x2048xf32, #tpu.memory_space<vmem>>, vector<16xf32>,
        %parallel_loop3A_721 = arith.constant 16 : i32
        %parallel_loop3A_722 = arith.muli %parallel_loop3A_649, %parallel_loop3A_721 : i32
        %parallel_loop3A_723 = arith.constant 6 : i32
        %parallel_loop3A_724 = arith.index_cast %parallel_loop3A_723 : i32 to index
        %parallel_loop3A_725 = arith.index_cast %parallel_loop3A_722 : i32 to index
        %parallel_loop3A_726 = tpu.vector_load %arg11[%parallel_loop3A_724, %parallel_loop3A_725] {strides = array<i32>} : memref<8x2048xf32, #tpu.memory_space<vmem>>, vector<16xf32>,
        tpu.vector_store %arg11[%parallel_loop3A_724, %parallel_loop3A_725], %parallel_loop3A_720 {add = true, strides = array<i32>} : memref<8x2048xf32, #tpu.memory_space<vmem>>, vector<16xf32>,
        %parallel_loop3A_727 = arith.constant 16 : i32
        %parallel_loop3A_728 = arith.muli %parallel_loop3A_649, %parallel_loop3A_727 : i32
        %parallel_loop3A_729 = arith.index_cast %reduce_max3A_631 : i32 to index
        %parallel_loop3A_730 = arith.index_cast %parallel_loop3A_728 : i32 to index
        %parallel_loop3A_731 = tpu.vector_load %arg7[%parallel_loop3A_729, %parallel_loop3A_730] {strides = array<i32>} : memref<12x2048xf32, #tpu.memory_space<vmem>>, vector<16xf32>,
        %parallel_loop3A_732 = arith.constant 16 : i32
        %parallel_loop3A_733 = arith.muli %parallel_loop3A_649, %parallel_loop3A_732 : i32
        %parallel_loop3A_734 = arith.constant 7 : i32
        %parallel_loop3A_735 = arith.index_cast %parallel_loop3A_734 : i32 to index
        %parallel_loop3A_736 = arith.index_cast %parallel_loop3A_733 : i32 to index
        %parallel_loop3A_737 = tpu.vector_load %arg11[%parallel_loop3A_735, %parallel_loop3A_736] {strides = array<i32>} : memref<8x2048xf32, #tpu.memory_space<vmem>>, vector<16xf32>,
        tpu.vector_store %arg11[%parallel_loop3A_735, %parallel_loop3A_736], %parallel_loop3A_731 {add = true, strides = array<i32>} : memref<8x2048xf32, #tpu.memory_space<vmem>>, vector<16xf32>,
      } {sc.loop_unroll_factor = 2 : i64, sc.parallel_access}
      %mul3A_635 = arith.constant 8 : i32
      %mul3A_636 = arith.muli %add3A_497, %mul3A_635 : i32
      %add3A_637 = arith.addi %mul3A_2, %mul3A_636 : i32
      %dma_start3A_638 = arith.constant 0 : i32
      %dma_start3A_639 = tpu.memref_slice %arg5[%add3A_637, %dma_start3A_638] : memref<16384x2048xf32, #tpu.memory_space<hbm>> -> memref<8x2048xf32, #tpu.memory_space<hbm>>
      %dma_start3A_640 = arith.constant 0 : i32
      %dma_start3A_641 = tpu.memref_slice %arg5[%add3A_637, %dma_start3A_640] : memref<16384x2048xf32, #tpu.memory_space<hbm>> -> memref<8x2048xf32, #tpu.memory_space<hbm>>
      tpu.enqueue_dma source(%arg11 : memref<8x2048xf32, #tpu.memory_space<vmem>>) target(%dma_start3A_641 : memref<8x2048xf32, #tpu.memory_space<hbm>>) target_semaphore(%arg19 : memref<!tpu.dma_semaphore, #tpu.memory_space<semaphore_mem>>)
      %add3A_642 = arith.constant 3 : i32
      %add3A_643 = arith.addi %add3A_497, %add3A_642 : i32
      %lt3A_644 = arith.constant 64 : i32
      %lt3A_645 = arith.cmpi slt, %add3A_643, %lt3A_644 : i32
      %convert_element_type3A_646 = arith.extui %lt3A_645 : i1 to i32
      %cond3A_647 = arith.constant 0 : i32
      %cond3A_648 = arith.cmpi ne, %convert_element_type3A_646, %cond3A_647 : i32
      scf.if %cond3A_648 {
        %ge3A = arith.constant 1 : i32
        %ge3A_649 = arith.cmpi sge, %add3A_497, %ge3A : i32
        %convert_element_type3A_650 = arith.extui %ge3A_649 : i1 to i32
        %cond3A_651 = arith.constant 0 : i32
        %cond3A_652 = arith.cmpi ne, %convert_element_type3A_650, %cond3A_651 : i32
        scf.if %cond3A_652 {
          %dma_wait3A_662 = arith.constant 0 : i32
          %dma_wait3A_663 = tpu.memref_slice %arg5[%mul3A_2, %dma_wait3A_662] : memref<16384x2048xf32, #tpu.memory_space<hbm>> -> memref<8x2048xf32, #tpu.memory_space<hbm>>
          %dma_wait3A_664 = arith.constant 0 : i32
          %dma_wait3A_665 = tpu.memref_slice %arg5[%mul3A_2, %dma_wait3A_664] : memref<16384x2048xf32, #tpu.memory_space<hbm>> -> memref<8x2048xf32, #tpu.memory_space<hbm>>
          tpu.wait_dma2 semaphore(%arg18 : memref<!tpu.dma_semaphore, #tpu.memory_space<semaphore_mem>>) src(%arg10 : memref<8x2048xf32, #tpu.memory_space<vmem>>) dst(%dma_wait3A_665 : memref<8x2048xf32, #tpu.memory_space<hbm>>)
        } else {
        }
        %add3A_653 = arith.constant 3 : i32
        %add3A_654 = arith.addi %add3A_497, %add3A_653 : i32
        %mul3A_655 = arith.constant 8 : i32
        %mul3A_656 = arith.muli %add3A_654, %mul3A_655 : i32
        %add3A_657 = arith.addi %mul3A_2, %mul3A_656 : i32
        %dma_start3A_658 = arith.constant 0 : i32
        %dma_start3A_659 = tpu.memref_slice %arg2[%add3A_657, %dma_start3A_658] : memref<16384x2048xf32, #tpu.memory_space<hbm>> -> memref<8x2048xf32, #tpu.memory_space<hbm>>
        %dma_start3A_660 = arith.constant 0 : i32
        %dma_start3A_661 = tpu.memref_slice %arg2[%add3A_657, %dma_start3A_660] : memref<16384x2048xf32, #tpu.memory_space<hbm>> -> memref<8x2048xf32, #tpu.memory_space<hbm>>
        tpu.enqueue_dma source(%dma_start3A_661 : memref<8x2048xf32, #tpu.memory_space<hbm>>) target(%arg10 : memref<8x2048xf32, #tpu.memory_space<vmem>>) target_semaphore(%arg14 : memref<!tpu.dma_semaphore, #tpu.memory_space<semaphore_mem>>)
      } else {
      }
    }
    %scan3A_24 = arith.constant 16 : i32
    %dma_wait3A = arith.constant 0 : i32
    %dma_wait3A_25 = tpu.memref_slice %arg5[%mul3A_2, %dma_wait3A] : memref<16384x2048xf32, #tpu.memory_space<hbm>> -> memref<8x2048xf32, #tpu.memory_space<hbm>>
    %dma_wait3A_26 = arith.constant 0 : i32
    %dma_wait3A_27 = tpu.memref_slice %arg5[%mul3A_2, %dma_wait3A_26] : memref<16384x2048xf32, #tpu.memory_space<hbm>> -> memref<8x2048xf32, #tpu.memory_space<hbm>>
    tpu.wait_dma2 semaphore(%arg16 : memref<!tpu.dma_semaphore, #tpu.memory_space<semaphore_mem>>) src(%arg8 : memref<8x2048xf32, #tpu.memory_space<vmem>>) dst(%dma_wait3A_27 : memref<8x2048xf32, #tpu.memory_space<hbm>>)
    %dma_wait3A_28 = arith.constant 0 : i32
    %dma_wait3A_29 = tpu.memref_slice %arg5[%mul3A_2, %dma_wait3A_28] : memref<16384x2048xf32, #tpu.memory_space<hbm>> -> memref<8x2048xf32, #tpu.memory_space<hbm>>
    %dma_wait3A_30 = arith.constant 0 : i32
    %dma_wait3A_31 = tpu.memref_slice %arg5[%mul3A_2, %dma_wait3A_30] : memref<16384x2048xf32, #tpu.memory_space<hbm>> -> memref<8x2048xf32, #tpu.memory_space<hbm>>
    tpu.wait_dma2 semaphore(%arg17 : memref<!tpu.dma_semaphore, #tpu.memory_space<semaphore_mem>>) src(%arg9 : memref<8x2048xf32, #tpu.memory_space<vmem>>) dst(%dma_wait3A_31 : memref<8x2048xf32, #tpu.memory_space<hbm>>)
    %dma_wait3A_32 = arith.constant 0 : i32
    %dma_wait3A_33 = tpu.memref_slice %arg5[%mul3A_2, %dma_wait3A_32] : memref<16384x2048xf32, #tpu.memory_space<hbm>> -> memref<8x2048xf32, #tpu.memory_space<hbm>>
    %dma_wait3A_34 = arith.constant 0 : i32
    %dma_wait3A_35 = tpu.memref_slice %arg5[%mul3A_2, %dma_wait3A_34] : memref<16384x2048xf32, #tpu.memory_space<hbm>> -> memref<8x2048xf32, #tpu.memory_space<hbm>>
    tpu.wait_dma2 semaphore(%arg18 : memref<!tpu.dma_semaphore, #tpu.memory_space<semaphore_mem>>) src(%arg10 : memref<8x2048xf32, #tpu.memory_space<vmem>>) dst(%dma_wait3A_35 : memref<8x2048xf32, #tpu.memory_space<hbm>>)
    %dma_wait3A_36 = arith.constant 0 : i32
    %dma_wait3A_37 = tpu.memref_slice %arg5[%mul3A_2, %dma_wait3A_36] : memref<16384x2048xf32, #tpu.memory_space<hbm>> -> memref<8x2048xf32, #tpu.memory_space<hbm>>
    %dma_wait3A_38 = arith.constant 0 : i32
    %dma_wait3A_39 = tpu.memref_slice %arg5[%mul3A_2, %dma_wait3A_38] : memref<16384x2048xf32, #tpu.memory_space<hbm>> -> memref<8x2048xf32, #tpu.memory_space<hbm>>
    tpu.wait_dma2 semaphore(%arg19 : memref<!tpu.dma_semaphore, #tpu.memory_space<semaphore_mem>>) src(%arg11 : memref<8x2048xf32, #tpu.memory_space<vmem>>) dst(%dma_wait3A_39 : memref<8x2048xf32, #tpu.memory_space<hbm>>)
    return
  }
}

</mosaic_0001>

<sc_bundles>
// kernel: kernel.3.cloned.1.call-start
scs
__scs_entry_jumppad:
0x0: {  	(pc) =	sbr.rel $0x88, $3  }
0x1: {  	(tag) =	ssettag $0x0;
	lr =	simm.s32 $0x1  }
0x2: {  	[smem:$0x3F9E] =	sst lr;
	_ =	strace $0xD0000000  }
0x3: {  	_ = 	snop  }
0x4: {  	_ = 	snop  }
0x5: {  	_ = 	snop  }
0x6: {  	_ = 	snop  }
0x7: {  	_ = 	snop  }
__scs_overlays_trampoline_lowered:
0x8: {  	[smem:$0x3FAD] =	sst s0  }
0x9: {  	[smem:$0x3FAE] =	sst s1  }
0xa: {  	[smem:$0x3FAF] =	sst s2  }
0xb: {  	[smem:$0x3FB0] =	sst s3  }
0xc: {  	[smem:$0x3FB1] =	sst s4  }
0xd: {  	[smem:$0x3FB2] =	sst s5  }
0xe: {  	[smem:$0x3FB3] =	sst s6  }
0xf: {  	[smem:$0x3FB4] =	sst s7  }
0x10: {  	[smem:$0x3FB5] =	sst s8  }
0x11: {  	[smem:$0x3FB6] =	sst s9;
	s0 =	simm.s32 @!p0 $0x0  }
0x12: {  	s1 =	sld [smem:$0x3F9C];
	s0 =	simm.s32 @p0 $0x1  }
0x13: {  	[smem:$0x3FB7] =	sst s0;
	s0 =	simm.s32 @!p1 $0x0  }
0x14: {  	s2 =	sld [smem:$0x3F9B];
	s0 =	simm.s32 @p1 $0x1  }
0x15: {  	[smem:$0x3FB8] =	sst s0;
	s0 =	simm.s32 @!p2 $0x0  }
0x16: {  	s3 =	sld [smem:$0x3FDB];
	s0 =	simm.s32 @p2 $0x1  }
0x17: {  	s4 =	simm.s32 $0x1BF5;
	[smem:$0x3FBA] =	sst s0  }
0x18: {  	s0 =	sld [smem:$0x3F9D];
	_ =	swait.ge [sflag:s4], $0x0  }
0x19: {  	s7 =	sld [smem:$0x3F9E]  }
0x1a: {  	s8 =	sadd.s32 $0xFFFFE003, lr  }
0x1b: {  	s9 =	sadd.s32 $0xFFFFFEF7, lr;
	s5 =	simm.s32 $0xFFFFFFFF;
	p2 =	slt.u32 s8, $0xFFFFF086  }
0x1c: {  	p1 =	slt.u32 s9, $0xF7A;
	s5 =	simm.s32 @!p2 $0x0  }
0x1d: {  	s5 =	simm.s32 @p1 $0x1;
	p0 =	seq.s32 s7, s2  }
0x1e: {  	s7 =	smul.u32 @!p0 $0xF7A, s2;
	p2 =	seq.s32 @!p0 s5, $0x0  }
0x1f: {  	s9 =	smul.u32 $0xF7A, s1;
	s8 =	simm.s32 @!p0 $0x1BF5;
	p2 =	por !p2, p0  }
0x20: {  	[sflag:s8] =	ssyncset.s32 @!p0 $0xFFFFF086;
	s6 =	sadd.s32 @!p0 s3, s7;
	s7 =	simm.s32 @!p0 $0x108  }
0x21: {  	s3 =	sadd.s32 s3, s9;
	s6 =	sadd.s32 @!p0 $0x88, s6;
	s7 =	simm.s32 @p2 $0x1082  }
0x22: {  	[simem:s7], [sflag:s8] =	dma.local @!p0 [hbm:s6], $0xF7A  }
0x23: {  	s9 =	sor.u32 $0xD0000000, s2;
	s6 =	simm.s32 $0x108;
	_ =	swait.ge @!p0 [sflag:s8], $0x0  }
0x24: {  	s3 =	sadd.s32 $0x88, s3;
	s6 =	simm.s32 @!p1 $0x1082;
	[sflag:s4] =	ssyncset.s32 $0xFFFFF086  }
0x25: {  	[simem:s6], [sflag:s4] =	dma.local [hbm:s3], $0xF7A  }
0x26: {  	[smem:$0x3F9E] =	sst s1;
	(tag) =	ssettag s2;
	_ =	strace s9  }
0x27: {  	s1 =	sld [smem:$0x3FAE]  }
0x28: {  	s2 =	sld [smem:$0x3FAF]  }
0x29: {  	s4 =	sld [smem:$0x3FB1]  }
0x2a: {  	p0 =	seq.s32 s5, $0x0;
	s5 =	sld [smem:$0x3FB2]  }
0x2b: {  	s6 =	sld [smem:$0x3FB3]  }
0x2c: {  	s7 =	sld [smem:$0x3FB4]  }
0x2d: {  	s3 =	simm.s32 $0x108;
	s8 =	sld [smem:$0x3FB5]  }
0x2e: {  	s3 =	simm.s32 @!p0 $0x1082;
	s9 =	sld [smem:$0x3FB6]  }
0x2f: {  	lr =	sadd.s32 s0, s3;
	s0 =	sld [smem:$0x3FAD]  }
0x30: {  	s3 =	sld [smem:$0x3FB0]  }
0x31: {  	[smem:$0x3FB9] =	sst s10  }
0x32: {  	s10 =	sld [smem:$0x3FB7];
	_ =	sdelay $0x3  }
0x33: {  	p0 =	seq.s32 s10, $0x1;
	s10 =	sld [smem:$0x3FB9];
	_ =	sdelay $0x3  }
0x34: {  	[smem:$0x3FB9] =	sst s10  }
0x35: {  	s10 =	sld [smem:$0x3FB8];
	_ =	sdelay $0x3  }
0x36: {  	p1 =	seq.s32 s10, $0x1;
	s10 =	sld [smem:$0x3FB9];
	_ =	sdelay $0x3  }
0x37: {  	[smem:$0x3FB9] =	sst s10  }
0x38: {  	s10 =	sld [smem:$0x3FBA]  }
0x39: {  	_ = 	snop;
	(pc) =	sbr.ind lr, $3  }
0x3a: {  	_ = 	snop  }
0x3b: {  	_ = 	snop  }
0x3c: {  	p2 =	seq.s32 s10, $0x1;
	s10 =	sld [smem:$0x3FB9]  }
0x3d: {  	_ =	shalt  }
0x3e: {  	_ =	shalt  }
0x3f: {  	_ =	shalt  }
0x40: {  	_ =	shalt  }
0x41: {  	_ =	shalt  }
0x42: {  	_ =	shalt  }
0x43: {  	_ =	shalt  }
0x44: {  	_ =	shalt  }
0x45: {  	_ =	shalt  }
0x46: {  	_ =	shalt  }
0x47: {  	_ =	shalt  }
0x48: {  	_ =	shalt  }
0x49: {  	_ =	shalt  }
0x4a: {  	_ =	shalt  }
0x4b: {  	_ =	shalt  }
0x4c: {  	_ =	shalt  }
0x4d: {  	_ =	shalt  }
0x4e: {  	_ =	shalt  }
0x4f: {  	_ =	shalt  }
0x50: {  	_ =	shalt  }
0x51: {  	_ =	shalt  }
0x52: {  	_ =	shalt  }
0x53: {  	_ =	shalt  }
0x54: {  	_ =	shalt  }
0x55: {  	_ =	shalt  }
0x56: {  	_ =	shalt  }
0x57: {  	_ =	shalt  }
0x58: {  	_ =	shalt  }
0x59: {  	_ =	shalt  }
0x5a: {  	_ =	shalt  }
0x5b: {  	_ =	shalt  }
0x5c: {  	_ =	shalt  }
0x5d: {  	_ =	shalt  }
0x5e: {  	_ =	shalt  }
0x5f: {  	_ =	shalt  }
0x60: {  	_ =	shalt  }
0x61: {  	_ =	shalt  }
0x62: {  	_ =	shalt  }
0x63: {  	_ =	shalt  }
0x64: {  	_ =	shalt  }
0x65: {  	_ =	shalt  }
0x66: {  	_ =	shalt  }
0x67: {  	_ =	shalt  }
0x68: {  	_ =	shalt  }
0x69: {  	_ =	shalt  }
0x6a: {  	_ =	shalt  }
0x6b: {  	_ =	shalt  }
0x6c: {  	_ =	shalt  }
0x6d: {  	_ =	shalt  }
0x6e: {  	_ =	shalt  }
0x6f: {  	_ =	shalt  }
0x70: {  	_ =	shalt  }
0x71: {  	_ =	shalt  }
0x72: {  	_ =	shalt  }
0x73: {  	_ =	shalt  }
0x74: {  	_ =	shalt  }
0x75: {  	_ =	shalt  }
0x76: {  	_ =	shalt  }
0x77: {  	_ =	shalt  }
0x78: {  	_ =	shalt  }
0x79: {  	_ =	shalt  }
0x7a: {  	_ =	shalt  }
0x7b: {  	_ =	shalt  }
0x7c: {  	_ =	shalt  }
0x7d: {  	_ =	shalt  }
0x7e: {  	_ =	shalt  }
0x7f: {  	_ =	shalt  }
0x80: {  	_ =	shalt  }
0x81: {  	_ =	shalt  }
0x82: {  	_ =	shalt  }
0x83: {  	_ =	shalt  }
0x84: {  	_ =	shalt  }
0x85: {  	_ =	shalt  }
0x86: {  	_ =	shalt  }
0x87: {  	_ =	shalt  }
.Lfunc_end0:
.L_simem_size_0:
called_computation_lowered:
.L_overlay_start_0:
0x88: {  	s2 =	sld [smem:$0x3FD9]  }
0x89: {  	s3 =	sld [smem:$0x3FFE];
	_ =	sdelay $0x1  }
0x8a: {  	s1 =	srdreg.scid  }
0x8b: {  	s0 =	sand.u32 $0x1, s1  }
0x8c: {  	s15 =	sshll.u32 s0, $0xA;
	s2 =	sadd.s32 s3, s2  }
0x8d: {  	s2 =	sadd.s32 s2, s15  }
0x8e: {  	[smem:$0x3FC5] =	sst s2  }
0x8f: {  	_ = 	snop  }
0x90: {  	s2 =	sld [smem:$0x3FD0]  }
0x91: {  	s16 =	sld [smem:$0x3FC9]  }
0x92: {  	s4 =	sld [smem:$0x3FC8]  }
0x93: {  	s6 =	simm.s32 $0xA;
	s7 =	simm.s32 $0x10;
	s5 =	sld [smem:$0x3FC7]  }
0x94: {  	[smem:s7], [sflag:s6] =	dma.local [hbm:s2], $0x1  }
0x95: {  	_ =	swait.eq [sflag:s6], $0x1  }
0x96: {  	[sflag:s6] =	ssyncset.done $0x0  }
0x97: {  	[sflag:s6] =	ssyncadd.s32 $0xFFFFFFFF  }
0x98: {  	s17 =	sld [smem:$0x10];
	(tm) =	ssettm $0x1  }
0x99: {  	s18 =	sld [smem:$0x3FFB];
	_ =	sdelay $0x3  }
0x9a: {  	_ =	strace s18  }
0x9b: {  	s6 =	sld [smem:$0x3FFC];
	_ =	sdelay $0x3  }
0x9c: {  	_ =	strace s6  }
0x9d: {  	s6 =	sld [smem:$0x3FFD];
	_ =	sdelay $0x3  }
0x9e: {  	_ =	strace s6  }
0x9f: {  	_ =	strace $0x8FFFFFFF  }
0xa0: {  	s19 =	sld [smem:$0x3FDB];
	_ =	sdelay $0x1  }
0xa1: {  	s20 =	simm.s32 $_scs_section_size  }
0xa2: {  	s8 =	simm.s32 $_size__tile_overlayer_lowered;
	s9 =	simm.s32 $_tile_overlayer_lowered  }
0xa3: {  	s23 =	simm.s32 $0x1BFF;
	s22 =	sshll.u32 s9, $0x1;
	s6 =	sadd.s32 s20, s19  }
0xa4: {  	s10 =	simm.s32 $0x0;
	s21 =	sshll.u32 s8, $0x1;
	s8 =	sadd.s32 s22, s6  }
0xa5: {  	[timem:s10], [sflag:s23] =	dma.local [hbm:s8], s21  }
0xa6: {  	_ =	swait.ge [sflag:s23], s21  }
0xa7: {  	s7 =	ssub.s32 $0x0, s21;
	[sflag:s23] =	ssyncset.done $0x0  }
0xa8: {  	[sflag:s23] =	ssyncadd.s32 s7;
	_ =	sdelay $0x1  }
0xa9: {  	s24 =	simm.s32 $0x1B8B  }
0xaa: {  	_ =	swait.ge [sflag:s24], $0x1  }
0xab: {  	[sflag:s24] =	ssyncset.done $0x0  }
0xac: {  	s25 =	simm.s32 $0x1B8E;
	[sflag:s24] =	ssyncadd.s32 $0xFFFFFFFF  }
0xad: {  	s26 =	simm.s32 $execute0_lowered;
	[smem:$0x3FD2] =	sst s25  }
0xae: {  	s7 =	sshll.u32 s26, $0x1;
	_ =	strace $0x80000046;
	[dreg:$0x1] =	wrdreg $0xFFFFFFFF  }
0xaf: {  	s28 =	simm.s32 $_size_execute0_lowered;
	s6 =	sadd.s32 s6, s7;
	[dreg:$0x0] =	wrdreg $0x0  }
0xb0: {  	s7 =	sshll.u32 s28, $0x1;
	[dreg:$0x2] =	wrdreg s6  }
0xb1: {  	[dreg:$0x3] =	wrdreg s7  }
0xb2: {  	[dreg:$0x4] =	wrdreg $0xC0  }
0xb3: {  	_ =	task [dreg:s10], $0x5FFFF  }
0xb4: {  	[dreg:$0x1] =	wrdreg $0xFFFFFFFF  }
0xb5: {  	[dreg:$0x0] =	wrdreg $0x60  }
0xb6: {  	[dreg:$0x2] =	wrdreg s16  }
0xb7: {  	[dreg:$0x3] =	wrdreg s4  }
0xb8: {  	[dreg:$0x4] =	wrdreg s5  }
0xb9: {  	[dreg:$0x5] =	wrdreg s17  }
0xba: {  	[dreg:$0x6] =	wrdreg $0x9  }
0xbb: {  	_ =	task.clear_ibuf [dreg:s10], $0x7FFFF;
	_ =	strace $0x90000046  }
0xbc: {  	s29 =	simm.s32 $0x9;
	_ =	strace $0x80000048  }
0xbd: {  	_ =	swait.ge [sflag:s29], $0x1  }
0xbe: {  	[sflag:s29] =	ssyncadd.s32 $0xFFFFFFFF  }
0xbf: {  	_ =	strace $0x90000048  }
0xc0: {  	_ =	sfence  }
0xc1: {  	s30 =	sld [smem:$0x0];
	_ =	sdelay $0x2  }
0xc2: {  	s31 =	sshll.u32 s1, $0xD;
	s1 =	sshrl.u32 s1, $0x2  }
0xc3: {  	s3 =	sand.u32 $0x4000, s31;
	s1 =	sadd.s32 s1, s30  }
0xc4: {  	s0 =	sor.u32 s3, s0;
	s1 =	sshll.u32 s1, $0x11  }
0xc5: {  	s0 =	sor.u32 s1, s0  }
0xc6: {  	s0 =	sadd.s32 $0x8F2B, s0  }
0xc7: {  	[sflag:s0] =	ssyncadd.remote.s32 $0x1  }
0xc8: {  	_ =	sfence.sel $0xFFFF  }
0xc9: {  	[dreg:$0x0] =	wrdreg $0xFFFFFFFF;
	(pc) =	sbr.abs _section_cstart, $3  }
0xca: {  	[dreg:$0x1] =	wrdreg $0xFFFFFFFF  }
0xcb: {  	_ =	task.clear_ibuf [dreg:s10], $0x2FFFF;
	_ =	strace $0x9FFFFFFF  }
0xcc: {  	(tm) =	ssettm $0x7FFFFFFF  }
0xcd: {  	_ =	shalt  }
tec
execute0_lowered:
.L_overlay_start_1:
0x0: {  	(tag) =	ssettag $0x1  }
0x1: {  	s2 =	srdreg.scid  }
0x2: {  	s3 =	stileid.u32;
	s2 =	sand.u32 $0x1, s2  }
0x3: {  	s0 =	rddreg [dreg:$0x0];
	s3 =	sshll.u32 s3, $0xA;
	s6 =	sshll.u32 s2, $0x9  }
0x4: {  	s1 =	rddreg [dreg:$0x1];
	s3 =	sor.u32 s6, s3  }
0x5: {  	s4 =	rddreg [dreg:$0x3];
	s5 =	simm.s32 $0x0;
	s7 =	sshll.u32 s3, $0x8  }
0x6: {  	[smem:$0x7FF] =	sst s5;
	s9 =	sshrl.u32 s3, $0x3;
	s0 =	sadd.s32 s0, s7  }
0x7: {  	_ =	strace $0x80000047;
	s24 =	sadd.s32 s1, s9;
	[smem:$0x7F6] =	sst s0  }
0x8: {  	s2 =	ssub.s32 $0x2, s2;
	s25 =	sadd.s32 s4, s7;
	[smem:$0x7F8] =	sst s24  }
0x9: {  	s22 =	sshrl.u32 s2, $0x1;
	s26 =	sor.u32 $0x4, s9;
	[smem:$0x7F9] =	sst s25  }
0xa: {  	vm0 =	vmmov $0x1;
	s2 =	ssub.s32 s2, s22;
	s28 =	sor.u32 $0x5, s9;
	[smem:$0x7FA] =	sst s26  }
.Ltmp0:
0xb: {  	vm1 =	vcmask $0x308;
	vm2 =	vcmask $0x70C;
	vm3 =	vcmask $0xB10;
	s29 =	sor.u32 $0x6, s9;
	[smem:$0x7FB] =	sst s28;
	(pc) =	sbr.rel .LBB2_1-.Ltmp0, $4  }
0xc: {  	vm4 =	vcmask $0xF14;
	vm5 =	vcmask $0x1318;
	vm6 =	vcmask $0x171C;
	s31 =	smax.u32 s2, $0x1;
	[smem:$0x7FC] =	sst s29  }
0xd: {  	vm7 =	vcmask $0x1B20;
	vm8 =	vcmask $0x1F24;
	vm9 =	vcmask $0x2328;
	s23 =	sadd.s32 $0x800, s0;
	[smem:$0x7FD] =	sst s31  }
0xe: {  	s30 =	simm.s32 $0x10200;
	vm10 =	vcmask $0x272C;
	vm11 =	vcmask $0x2B30;
	vm12 =	vcmask $0x2F34;
	s0 =	sadd.s32 $0x1000, s0;
	[smem:$0x7F5] =	sst s23  }
0xf: {  	vm13 =	vcmask $0x3338;
	vm14 =	vcmask $0x373C;
	vm15 =	vmmov $0x7fff;
	s2 =	simm.s32 $0x0;
	s25 =	simm.s32 $0x14200;
	[smem:$0x7F7] =	sst s0  }
.LBB2_12:
0x10: {  	s0 =	simm.s32 $0x5  }
0x11: {  	_ =	swait.ge [sflag:s0], $0x4000  }
0x12: {  	[sflag:s0] =	ssyncset.done $0x0  }
0x13: {  	s28 =	simm.s32 $0x6;
	[sflag:s0] =	ssyncadd.s32 $0xFFFFC000  }
0x14: {  	_ =	swait.ge [sflag:s28], $0x4000  }
0x15: {  	[sflag:s28] =	ssyncset.done $0x0  }
0x16: {  	s29 =	simm.s32 $0x7;
	[sflag:s28] =	ssyncadd.s32 $0xFFFFC000  }
0x17: {  	_ =	swait.ge [sflag:s29], $0x4000  }
0x18: {  	[sflag:s29] =	ssyncset.done $0x0  }
0x19: {  	s1 =	simm.s32 $0x8;
	[sflag:s29] =	ssyncadd.s32 $0xFFFFC000  }
0x1a: {  	_ =	swait.ge [sflag:s1], $0x4000  }
0x1b: {  	s2 =	sld [smem:$0x7F4]  }
0x1c: {  	s31 =	sld [smem:$0x7FD];
	_ =	sdelay $0x1  }
0x1d: {  	s2 =	sadd.s32 $0x1, s2  }
0x1e: {  	p0 =	sne.s32 s2, s31  }
.Ltmp1:
0x1f: {  	_ = 	snop;
	(pc) =	sbr.rel @!p0 .LBB2_13-.Ltmp1, $3  }
0x20: {  	_ =	sdelay $0x1  }
0x21: {  	[sflag:s1] =	ssyncset.done $0x0  }
0x22: {  	[sflag:s1] =	ssyncadd.s32 $0xFFFFC000  }
.LBB2_1:
0x23: {  	s0 =	sld [smem:$0x7F6];
	_ =	sdelay $0x1  }
0x24: {  	s1 =	simm.s32 $0x8200;
	s23 =	sld [smem:$0x7F5]  }
0x25: {  	[tilespmem:s1], [sflag:$0x1] =	stream.linear.gather [hbm4b:s0+s5], $0x4000, $0x38;
	[tilespmem:$0x18200] =	vst v63  }
0x26: {  	s24 =	simm.s32 $0xC200;
	s26 =	sld [smem:$0x7F7]  }
0x27: {  	[tilespmem:s24], [sflag:$0x2] =	stream.linear.gather [hbm4b:s23+s5], $0x4000, $0x38;
	[tilespmem:$0x18200] =	vst v63  }
0x28: {  	s28 =	sld [smem:$0x7F8]  }
0x29: {  	[tilespmem:s30], [sflag:$0x3] =	stream.linear.gather [hbm4b:s26+s5], $0x4000, $0x38;
	[tilespmem:$0x18200] =	vst v63  }
0x2a: {  	[smem:$0x7F4] =	sst s2;
	s29 =	simm.s32 $0x9  }
0x2b: {  	[tilespmem:s5], [sflag:$0x9] =	stream.linear.gather [hbm4b:s28+s5], $0x200, $0x38;
	[tilespmem:$0x18200] =	vst v63  }
0x2c: {  	_ =	swait.ge [sflag:s29], $0x200  }
0x2d: {  	[sflag:s29] =	ssyncset.done $0x0  }
0x2e: {  	[sflag:s29] =	ssyncadd.s32 $0xFFFFFE00  }
0x2f: {  	s31 =	simm.s32 $0x200;
	s30 =	rddreg [dreg:$0x2]  }
0x30: {  	[tilespmem:s31], [sflag:$0x9] =	stream.linear.gather [hbm4b:s30+s5], $0x8000, $0x38;
	[tilespmem:$0x18200] =	vst v63  }
0x31: {  	_ =	swait.ge [sflag:s29], $0x8000  }
0x32: {  	[sflag:s29] =	ssyncset.done $0x0  }
0x33: {  	s1 =	simm.s32 $0x0;
	[sflag:s29] =	ssyncadd.s32 $0xFFFF8000  }
.LBB2_2:
0x34: {  	s0 =	simm.s32 $0x1  }
0x35: {  	_ =	swait.ge [sflag:s0], $0x4000  }
0x36: {  	s2 =	sshll.u32 s1, $0x7;
	[sflag:s0] =	ssyncset.done $0x0  }
0x37: {  	s3 =	sshrl.u32 s2, $0x2;
	[sflag:s0] =	ssyncadd.s32 $0xFFFFC000  }
0x38: {  	v0 =	vld [tilespmem:s3+$0x0];
	_ =	sdelay $0x4  }
0x39: {  	v1 =	vnsel vm0, $0x0, v0  }
0x3a: {  	v2 =	vsel vm1, $0x0, v0;
	v1 =	vxor.u32 $0x80000000, v1  }
0x3b: {  	(xrf0) =	vmax.scan.msk.u32 $0xffff, v1;
	v1 =	vxor.u32 $0x80000000, v2;
	v2 =	vsel vm2, $0x0, v0  }
0x3c: {  	(xrf0) =	vmax.scan.msk.u32 $0xffff, v1;
	v1 =	vxor.u32 $0x80000000, v2;
	v2 =	vsel vm3, $0x0, v0  }
0x3d: {  	(xrf0) =	vmax.scan.msk.u32 $0xffff, v1;
	v1 =	vxor.u32 $0x80000000, v2;
	v2 =	vsel vm4, $0x0, v0  }
0x3e: {  	(xrf0) =	vmax.scan.msk.u32 $0xffff, v1;
	v1 =	vxor.u32 $0x80000000, v2;
	v2 =	vsel vm5, $0x0, v0  }
0x3f: {  	(xrf0) =	vmax.scan.msk.u32 $0xffff, v1;
	v1 =	vxor.u32 $0x80000000, v2;
	_ =	sdelay $0x2  }
0x40: {  	(xrf0) =	vmax.scan.msk.u32 $0xffff, v1;
	v1, _, _ =	vpop (xrf0)  }
0x41: {  	v2, _, _ =	vpop (xrf0);
	(v2sf) =	vpush v1, $0xF  }
0x42: {  	v1, _, _ =	vpop (xrf0);
	(v2sf) =	vpush v2, $0xF  }
0x43: {  	(v2sf) =	vpush v1, $0xF  }
0x44: {  	v2 =	vsel vm6, $0x0, v0;
	v3, _, _ =	vpop (xrf0)  }
0x45: {  	(v2sf) =	vpush v3, $0xF  }
0x46: {  	v1 =	vxor.u32 $0x80000000, v2  }
0x47: {  	(xrf0) =	vmax.scan.msk.u32 $0xffff, v1;
	v2, _, _ =	vpop (xrf0)  }
0x48: {  	(v2sf) =	vpush v2, $0xF  }
0x49: {  	v1, _, _ =	vpop (xrf0)  }
0x4a: {  	(v2sf) =	vpush v1, $0xF  }
0x4b: {  	v0 =	vsel vm7, $0x0, v0  }
0x4c: {  	v0 =	vxor.u32 $0x80000000, v0  }
0x4d: {  	v1, _, _ =	vpop (xrf0);
	(xrf0) =	vmax.scan.msk.u32 $0xffff, v0;
	_ =	sdelay $0x2  }
0x4e: {  	(v2sf) =	vpush v1, $0xF;
	s15 =	spop (v2sf)  }
0x4f: {  	s6 =	spop (v2sf);
	s10 =	sshll.u32 s15, $0xB  }
0x50: {  	s2 =	sshll.u32 s15, $0x7;
	s7 =	spop (v2sf);
	s10 =	sand.u32 $0xFFFFC000, s10  }
0x51: {  	v0, _, _ =	vpop (xrf0);
	s2 =	sand.u32 $0x380, s2;
	s16 =	sshll.u32 s6, $0xB;
	s6 =	sshll.u32 s6, $0x7  }
0x52: {  	(v2sf) =	vpush v0, $0xF;
	s8 =	spop (v2sf);
	s2 =	sor.u32 s2, s10;
	s17 =	sand.u32 $0xFFFFC000, s16  }
0x53: {  	s6 =	sand.u32 $0x380, s6;
	s18 =	sshll.u32 s7, $0xB;
	s7 =	sshll.u32 s7, $0x7  }
0x54: {  	s2 =	sadd.s32 $0x200, s2;
	s7 =	sand.u32 $0x380, s7;
	s21 =	sshll.u32 s8, $0xB  }
0x55: {  	s22 =	sshll.u32 s8, $0x7;
	s11 =	spop (v2sf);
	[dreg:$0x5] =	wrdreg s2  }
0x56: {  	s2 =	sor.u32 s6, s17;
	s6 =	sand.u32 $0xFFFFC000, s18;
	s23 =	sand.u32 $0xFFFFC000, s21  }
0x57: {  	s24 =	sand.u32 $0x380, s22;
	s12 =	spop (v2sf);
	s2 =	sadd.s32 $0x200, s2  }
0x58: {  	s20 =	sor.u32 s7, s6;
	s26 =	sshll.u32 s11, $0xB;
	s18 =	rddreg [dreg:$0x5]  }
0x59: {  	s29 =	sshll.u32 s11, $0x7;
	[dreg:$0x6] =	wrdreg s2;
	s2 =	sadd.s32 $0x200, s20  }
0x5a: {  	s6 =	sand.u32 $0xFFFFC000, s26;
	s7 =	sand.u32 $0x380, s29;
	s31 =	sshll.u32 s12, $0xB  }
0x5b: {  	s0 =	sshll.u32 s12, $0x7;
	[dreg:$0x7] =	wrdreg s2;
	s2 =	sor.u32 s24, s23  }
0x5c: {  	s30 =	sor.u32 s7, s6;
	s6 =	sand.u32 $0xFFFFC000, s31;
	s7 =	sand.u32 $0x380, s0  }
0x5d: {  	s2 =	sadd.s32 $0x200, s2;
	s6 =	sor.u32 s7, s6;
	s19 =	spop (v2sf)  }
0x5e: {  	[dreg:$0x8] =	wrdreg s2;
	s2 =	sadd.s32 $0x200, s30;
	s13 =	sadd.s32 $0x200, s6  }
0x5f: {  	s4 =	sshll.u32 s19, $0xB;
	s10 =	sshll.u32 s19, $0x7;
	[dreg:$0x9] =	wrdreg s2  }
0x60: {  	[dreg:$0xa] =	wrdreg s13;
	s2 =	simm.s32 $0x0;
	s11 =	sand.u32 $0xFFFFC000, s4  }
0x61: {  	s12 =	sand.u32 $0x380, s10;
	s28 =	sand.u32 $0x3C00, s2;
	s16 =	spop (v2sf)  }
0x62: {  	s14 =	sor.u32 s12, s11;
	s17 =	sshll.u32 s16, $0xB;
	s6 =	sshll.u32 s16, $0x7  }
0x63: {  	s7 =	sadd.s32 s28, s18;
	s19 =	sand.u32 $0xFFFFC000, s17;
	s6 =	sand.u32 $0x380, s6  }
0x64: {  	s15 =	sadd.s32 $0x200, s14;
	s16 =	sand.u32 $0x60, s2;
	s6 =	sor.u32 s6, s19  }
0x65: {  	[dreg:$0xb] =	wrdreg s15;
	s19 =	sor.u32 $0x10, s16;
	s6 =	sadd.s32 $0x200, s6  }
0x66: {  	s20 =	sadd.s32 s19, s7;
	[dreg:$0xc] =	wrdreg s6  }
0x67: {  	v0 =	vld [tilespmem:s20+$0x0];
	_ =	sdelay $0x1  }
0x68: {  	s21 =	sadd.s32 s16, s7  }
0x69: {  	s22 =	rddreg [dreg:$0x6];
	s23 =	sor.u32 $0x8200, s28;
	v1 =	vld [tilespmem:s21+$0x0]  }
0x6a: {  	s7 =	sadd.s32 s28, s22;
	s11 =	sor.u32 s19, s23  }
0x6b: {  	s24 =	sadd.s32 s19, s7;
	[tilespmem:s11+$0x0] =	vst.add.f32.msk $0xffff, v0  }
0x6c: {  	v0 =	vld [tilespmem:s24+$0x0]  }
0x6d: {  	s17 =	sor.u32 s16, s23  }
0x6e: {  	s26 =	sadd.s32 s16, s7;
	[tilespmem:s17+$0x0] =	vst.add.f32.msk $0xffff, v1  }
0x6f: {  	s29 =	rddreg [dreg:$0x7];
	v1 =	vld [tilespmem:s26+$0x0]  }
0x70: {  	s31 =	sor.u32 $0x80, s11;
	s30 =	sadd.s32 s28, s29  }
0x71: {  	s0 =	sadd.s32 s19, s30;
	[tilespmem:s31+$0x0] =	vst.add.f32.msk $0xffff, v0  }
0x72: {  	v0 =	vld [tilespmem:s0+$0x0]  }
0x73: {  	s4 =	sor.u32 $0x80, s17  }
0x74: {  	s6 =	sadd.s32 s16, s30;
	[tilespmem:s4+$0x0] =	vst.add.f32.msk $0xffff, v1  }
0x75: {  	s10 =	rddreg [dreg:$0x8];
	v1 =	vld [tilespmem:s6+$0x0]  }
0x76: {  	s13 =	sor.u32 $0x100, s11;
	s12 =	sadd.s32 s28, s10  }
0x77: {  	s14 =	sadd.s32 s19, s12;
	[tilespmem:s13+$0x0] =	vst.add.f32.msk $0xffff, v0  }
0x78: {  	v0 =	vld [tilespmem:s14+$0x0]  }
0x79: {  	s15 =	sor.u32 $0x100, s17  }
0x7a: {  	s23 =	rddreg [dreg:$0x5];
	[tilespmem:s15+$0x0] =	vst.add.f32.msk $0xffff, v1  }
0x7b: {  	s8 =	simm.s32 $0x100;
	s6 =	sadd.s32 s16, s12;
	s18 =	rddreg [dreg:$0x9]  }
0x7c: {  	s21 =	sor.u32 $0x180, s11;
	s10 =	simm.s32 $0x20;
	v1 =	vld [tilespmem:s6+$0x0];
	s20 =	sadd.s32 s28, s18  }
0x7d: {  	s7 =	sand.u32 $0x60, s10;
	s15 =	sand.u32 $0x3C00, s8;
	s22 =	sadd.s32 s19, s20;
	[tilespmem:s21+$0x0] =	vst.add.f32.msk $0xffff, v0  }
0x7e: {  	s12 =	sadd.s32 s15, s23;
	s6 =	sor.u32 $0x10, s7;
	v0 =	vld [tilespmem:s22+$0x0]  }
0x7f: {  	s24 =	sadd.s32 s6, s12  }
0x80: {  	s13 =	sor.u32 $0x180, s17;
	v2 =	vld [tilespmem:s24+$0x0]  }
0x81: {  	s14 =	sadd.s32 s16, s20;
	[tilespmem:s13+$0x0] =	vst.add.f32.msk $0xffff, v1  }
0x82: {  	s13 =	rddreg [dreg:$0xa];
	v1 =	vld [tilespmem:s14+$0x0]  }
0x83: {  	s12 =	sadd.s32 s7, s12;
	s13 =	sadd.s32 s28, s13;
	[tilespmem:s11+$0x200] =	vst.add.f32.msk $0xffff, v0  }
0x84: {  	s26 =	rddreg [dreg:$0x6];
	s29 =	sor.u32 $0x8200, s15;
	s18 =	sadd.s32 s19, s13;
	v0 =	vld [tilespmem:s12+$0x0]  }
0x85: {  	s14 =	sadd.s32 s15, s26;
	s26 =	sor.u32 s6, s29;
	v3 =	vld [tilespmem:s18+$0x0]  }
0x86: {  	[tilespmem:s26+$0x0] =	vst.add.f32.msk $0xffff, v2  }
0x87: {  	s30 =	sadd.s32 s6, s14;
	[tilespmem:s17+$0x200] =	vst.add.f32.msk $0xffff, v1  }
0x88: {  	s20 =	sor.u32 s7, s29;
	v1 =	vld [tilespmem:s30+$0x0]  }
0x89: {  	[tilespmem:s20+$0x0] =	vst.add.f32.msk $0xffff, v0  }
0x8a: {  	s0 =	sadd.s32 s7, s14;
	s31 =	rddreg [dreg:$0xb];
	[tilespmem:s11+$0x280] =	vst.add.f32.msk $0xffff, v3  }
0x8b: {  	s13 =	sadd.s32 s16, s13;
	v0 =	vld [tilespmem:s0+$0x0]  }
0x8c: {  	s22 =	sor.u32 $0x80, s26;
	s12 =	sadd.s32 s28, s31;
	s4 =	rddreg [dreg:$0x7];
	v3 =	vld [tilespmem:s13+$0x0]  }
0x8d: {  	s18 =	sadd.s32 s19, s12;
	[tilespmem:s22+$0x0] =	vst.add.f32.msk $0xffff, v1;
	s14 =	sadd.s32 s15, s4  }
0x8e: {  	s21 =	sand.u32 $0x3, s2;
	v2 =	vld [tilespmem:s18+$0x0];
	s24 =	sadd.s32 s6, s14  }
0x8f: {  	s31 =	sor.u32 $0x80, s20;
	s11 =	sshll.u32 s21, $0x5;
	v1 =	vld [tilespmem:s24+$0x0]  }
0x90: {  	s11 =	sadd.s32 $0x0, s11;
	[tilespmem:s31+$0x0] =	vst.add.f32.msk $0xffff, v0  }
0x91: {  	s23 =	rddreg [dreg:$0xc];
	s22 =	sadd.s32 $0x10, s11;
	s14 =	sadd.s32 s7, s14;
	[tilespmem:s17+$0x280] =	vst.add.f32.msk $0xffff, v3  }
0x92: {  	s30 =	sadd.s32 s28, s23;
	s29 =	sor.u32 $0x300, s22;
	v0 =	vld [tilespmem:s14+$0x0]  }
0x93: {  	s19 =	sadd.s32 s19, s30;
	[tilespmem:s29+$0x8200] =	vst.add.f32.msk $0xffff, v2;
	s31 =	rddreg [dreg:$0x8]  }
0x94: {  	s4 =	sor.u32 $0x100, s26;
	v2 =	vld [tilespmem:s19+$0x0];
	s0 =	sadd.s32 s15, s31  }
0x95: {  	[tilespmem:s4+$0x0] =	vst.add.f32.msk $0xffff, v1;
	s18 =	sadd.s32 s6, s0  }
0x96: {  	s19 =	sor.u32 $0x100, s20;
	v1 =	vld [tilespmem:s18+$0x0]  }
0x97: {  	s13 =	sadd.s32 s7, s0;
	[tilespmem:s19+$0x0] =	vst.add.f32.msk $0xffff, v0  }
0x98: {  	s12 =	sadd.s32 s16, s12;
	v4 =	vld [tilespmem:s13+$0x0]  }
0x99: {  	s21 =	sor.u32 $0x380, s22;
	v0 =	vld [tilespmem:s12+$0x0];
	s22 =	rddreg [dreg:$0x9]  }
0x9a: {  	s24 =	sor.u32 $0x180, s26;
	[tilespmem:s21+$0x8200] =	vst.add.f32.msk $0xffff, v2;
	s23 =	sadd.s32 s15, s22  }
0x9b: {  	[tilespmem:s24+$0x0] =	vst.add.f32.msk $0xffff, v1;
	s29 =	sadd.s32 s6, s23  }
0x9c: {  	s28 =	simm.s32 $0x2;
	s31 =	sor.u32 $0x180, s20;
	v2 =	vld [tilespmem:s29+$0x0]  }
0x9d: {  	s17 =	sadd.s32 s16, s30;
	s16 =	simm.s32 $0x100;
	s12 =	sadd.s32 s7, s23;
	[tilespmem:s31+$0x0] =	vst.add.f32.msk $0xffff, v4  }
0x9e: {  	s14 =	sor.u32 $0x300, s11;
	s19 =	sor.u32 $0x380, s11;
	s11 =	rddreg [dreg:$0xa];
	v1 =	vld [tilespmem:s12+$0x0]  }
.LBB2_3:
0x9f: {  	_ = 	snop  }
0xa0: {  	[tilespmem:s14+$0x8200] =	vst.add.f32.msk $0xffff, v0  }
0xa1: {  	s13 =	rddreg [dreg:$0x5];
	s8 =	sadd.s32 $0x100, s8;
	v3 =	vld [tilespmem:s17+$0x0]  }
0xa2: {  	s31 =	sadd.s32 s15, s11;
	s10 =	sadd.s32 $0x20, s10;
	s11 =	sand.u32 $0x3C00, s8;
	[tilespmem:s26+$0x200] =	vst.add.f32.msk $0xffff, v2  }
0xa3: {  	s12 =	sand.u32 $0x60, s10;
	s0 =	sadd.s32 s6, s31;
	s18 =	sadd.s32 s11, s13;
	[tilespmem:s20+$0x200] =	vst.add.f32.msk $0xffff, v1  }
0xa4: {  	s4 =	sadd.s32 s12, s18;
	v0 =	vld [tilespmem:s0+$0x0]  }
0xa5: {  	s13 =	sor.u32 $0x10, s12;
	v2 =	vld [tilespmem:s4+$0x0]  }
0xa6: {  	s18 =	sadd.s32 s13, s18  }
0xa7: {  	s14 =	sadd.s32 s7, s31;
	v1 =	vld [tilespmem:s18+$0x0]  }
0xa8: {  	s22 =	rddreg [dreg:$0xb];
	s23 =	sor.u32 $0x8200, s11;
	v4 =	vld [tilespmem:s14+$0x0]  }
0xa9: {  	s21 =	rddreg [dreg:$0x6];
	s14 =	sadd.s32 s15, s22;
	s18 =	sor.u32 s12, s23;
	[tilespmem:s26+$0x280] =	vst.add.f32.msk $0xffff, v0  }
0xaa: {  	s2 =	sadd.s32 $0x1, s2;
	s17 =	sadd.s32 s11, s21;
	s22 =	sadd.s32 s6, s14;
	[tilespmem:s18+$0x0] =	vst.add.f32.msk $0xffff, v2  }
0xab: {  	s30 =	sand.u32 $0x3, s2;
	s24 =	sadd.s32 s13, s17;
	s17 =	sadd.s32 s12, s17;
	v0 =	vld [tilespmem:s22+$0x0]  }
0xac: {  	s30 =	sshll.u32 s30, $0x5;
	s26 =	sor.u32 s13, s23;
	v2 =	vld [tilespmem:s17+$0x0]  }
0xad: {  	s16 =	sadd.s32 s30, s16;
	[tilespmem:s26+$0x0] =	vst.add.f32.msk $0xffff, v1  }
0xae: {  	s4 =	sadd.s32 $0x10, s16;
	v1 =	vld [tilespmem:s24+$0x0]  }
0xaf: {  	s31 =	rddreg [dreg:$0xc];
	s0 =	sor.u32 $0x300, s4  }
0xb0: {  	s15 =	sadd.s32 s15, s31;
	s22 =	sor.u32 $0x80, s18;
	[tilespmem:s0+$0x8200] =	vst.add.f32.msk $0xffff, v0  }
0xb1: {  	s29 =	rddreg [dreg:$0x7];
	s24 =	sadd.s32 s6, s15;
	[tilespmem:s22+$0x0] =	vst.add.f32.msk $0xffff, v2  }
0xb2: {  	s0 =	sadd.s32 s11, s29;
	s29 =	sor.u32 $0x80, s26;
	v0 =	vld [tilespmem:s24+$0x0]  }
0xb3: {  	s24 =	sadd.s32 s12, s0;
	[tilespmem:s29+$0x0] =	vst.add.f32.msk $0xffff, v1;
	s0 =	sadd.s32 s13, s0  }
0xb4: {  	v1 =	vld [tilespmem:s0+$0x0]  }
0xb5: {  	v2 =	vld [tilespmem:s24+$0x0];
	_ =	sdelay $0x1  }
0xb6: {  	s4 =	sor.u32 $0x380, s4;
	s17 =	sadd.s32 s7, s15;
	s15 =	smov.u32 s11;
	[tilespmem:s20+$0x280] =	vst.add.f32.msk $0xffff, v4  }
0xb7: {  	s6 =	smov.u32 s13;
	s29 =	rddreg [dreg:$0x8];
	s13 =	sor.u32 $0x100, s26;
	[tilespmem:s4+$0x8200] =	vst.add.f32.msk $0xffff, v0  }
0xb8: {  	s21 =	sor.u32 $0x100, s18;
	s0 =	sadd.s32 s15, s29;
	[tilespmem:s13+$0x0] =	vst.add.f32.msk $0xffff, v1  }
0xb9: {  	s23 =	sadd.s32 s7, s14;
	s7 =	smov.u32 s12;
	s4 =	sadd.s32 s6, s0;
	[tilespmem:s21+$0x0] =	vst.add.f32.msk $0xffff, v2  }
0xba: {  	s12 =	sadd.s32 s7, s0;
	v1 =	vld [tilespmem:s4+$0x0]  }
0xbb: {  	v4 =	vld [tilespmem:s12+$0x0]  }
0xbc: {  	s28 =	sadd.s32 $0x2, s28  }
0xbd: {  	p0 =	slt.u32 s28, $0x7E;
	v0 =	vld [tilespmem:s23+$0x0]  }
.Ltmp2:
0xbe: {  	s22 =	rddreg [dreg:$0x9];
	s24 =	sor.u32 $0x180, s26;
	[tilespmem:s19+$0x8200] =	vst.add.f32.msk $0xffff, v3;
	(pc) =	sbr.rel @p0 .LBB2_3-.Ltmp2, $4  }
0xbf: {  	s31 =	sor.u32 $0x180, s18;
	s4 =	sadd.s32 s15, s22;
	[tilespmem:s24+$0x0] =	vst.add.f32.msk $0xffff, v1  }
0xc0: {  	s29 =	sadd.s32 s7, s4;
	s4 =	sadd.s32 s6, s4;
	[tilespmem:s31+$0x0] =	vst.add.f32.msk $0xffff, v4  }
0xc1: {  	s30 =	sor.u32 $0x380, s16;
	s14 =	sor.u32 $0x300, s16;
	s16 =	smov.u32 s8;
	v2 =	vld [tilespmem:s4+$0x0]  }
0xc2: {  	s11 =	rddreg [dreg:$0xa];
	s20 =	smov.u32 s18;
	s19 =	smov.u32 s30;
	v1 =	vld [tilespmem:s29+$0x0]  }
0xc3: {  	_ =	sdelay $0x1  }
0xc4: {  	s4 =	sadd.s32 s15, s11  }
0xc5: {  	s8 =	sadd.s32 s6, s4;
	[tilespmem:s26+$0x200] =	vst.add.f32.msk $0xffff, v2  }
0xc6: {  	v2 =	vld [tilespmem:s8+$0x0]  }
0xc7: {  	s4 =	sadd.s32 s7, s4;
	[tilespmem:s20+$0x200] =	vst.add.f32.msk $0xffff, v1  }
0xc8: {  	v1 =	vld [tilespmem:s4+$0x0]  }
0xc9: {  	s22 =	rddreg [dreg:$0xb]  }
0xca: {  	s23 =	sadd.s32 s15, s22  }
0xcb: {  	s2 =	sadd.s32 $0x1, s2;
	s8 =	sadd.s32 s6, s23;
	[tilespmem:s26+$0x280] =	vst.add.f32.msk $0xffff, v2  }
0xcc: {  	s2 =	sand.u32 $0x3, s2;
	v2 =	vld [tilespmem:s8+$0x0]  }
0xcd: {  	s2 =	sshll.u32 s2, $0x5;
	s4 =	sadd.s32 s7, s23;
	s24 =	rddreg [dreg:$0xc];
	[tilespmem:s20+$0x280] =	vst.add.f32.msk $0xffff, v1  }
0xce: {  	s2 =	sadd.s32 s2, s16;
	v1 =	vld [tilespmem:s4+$0x0]  }
0xcf: {  	[tilespmem:s14+$0x8200] =	vst.add.f32.msk $0xffff, v0;
	s26 =	sadd.s32 $0x10, s2  }
0xd0: {  	v0 =	vld [tilespmem:s17+$0x0];
	s10 =	sor.u32 $0x300, s26;
	s8 =	sadd.s32 s15, s24  }
0xd1: {  	s29 =	sadd.s32 s6, s8;
	[tilespmem:s10+$0x8200] =	vst.add.f32.msk $0xffff, v2  }
0xd2: {  	s0 =	sor.u32 $0x300, s2;
	v2 =	vld [tilespmem:s29+$0x0]  }
0xd3: {  	s8 =	sadd.s32 s7, s8;
	[tilespmem:s0+$0x8200] =	vst.add.f32.msk $0xffff, v1  }
0xd4: {  	v1 =	vld [tilespmem:s8+$0x0];
	_ =	sdelay $0x2  }
0xd5: {  	[tilespmem:s19+$0x8200] =	vst.add.f32.msk $0xffff, v0;
	s4 =	sor.u32 $0x380, s26  }
0xd6: {  	s2 =	sor.u32 $0x380, s2;
	[tilespmem:s4+$0x8200] =	vst.add.f32.msk $0xffff, v2  }
0xd7: {  	[tilespmem:s2+$0x8200] =	vst.add.f32.msk $0xffff, v1  }
0xd8: {  	s0 =	sld [smem:$0x7F9];
	_ =	sdelay $0x1  }
0xd9: {  	s11 =	sshll.u32 s1, $0xD;
	p0 =	seq.s32 s1, $0x0  }
0xda: {  	s13 =	simm.s32 $0x8200;
	s4 =	simm.s32 @!p0 $0x8;
	s12 =	sadd.s32 s11, s0  }
0xdb: {  	[hbm4b:s12+s5] =	stream.linear.scatter [tilespmem:s13], [sflag:$0x5], $0x4000, $0x38;
	[tilespmem:$0x18200] =	vst v63  }
0xdc: {  	_ =	swait.ge @!p0 [sflag:s4], $0x4000  }
0xdd: {  	s20 =	sshllo.u32 s1, $0x2;
	[sflag:s4] =	ssyncset.done @!p0 $0x0  }
0xde: {  	s14 =	sadd.s32 s9, s20;
	[sflag:s4] =	ssyncadd.s32 @!p0 $0xFFFFC000  }
0xdf: {  	s2 =	sshll.u32 s14, $0xB;
	s15 =	rddreg [dreg:$0x0]  }
0xe0: {  	s17 =	simm.s32 $0x2;
	s7 =	simm.s32 $0x0;
	s16 =	sadd.s32 s15, s2  }
0xe1: {  	[tilespmem:s25], [sflag:$0x4] =	stream.linear.gather [hbm4b:s16+s7], $0x4000, $0x38;
	[tilespmem:$0x18200] =	vst v63  }
0xe2: {  	_ =	swait.ge [sflag:s17], $0x4000  }
0xe3: {  	[sflag:s17] =	ssyncset.done $0x0  }
0xe4: {  	[sflag:s17] =	ssyncadd.s32 $0xFFFFC000  }
0xe5: {  	v0 =	vld [tilespmem:s3+$0x0];
	_ =	sdelay $0x4  }
0xe6: {  	v0 =	vxor.u32 $0x80000000, v0  }
0xe7: {  	v1 =	vsel vm8, $0x80000000, v0  }
0xe8: {  	(xrf0) =	vmax.scan.msk.u32 $0xffff, v1;
	v1 =	vsel vm9, $0x80000000, v0  }
0xe9: {  	(xrf0) =	vmax.scan.msk.u32 $0xffff, v1;
	v1 =	vsel vm10, $0x80000000, v0  }
0xea: {  	(xrf0) =	vmax.scan.msk.u32 $0xffff, v1;
	v1 =	vsel vm11, $0x80000000, v0  }
0xeb: {  	(xrf0) =	vmax.scan.msk.u32 $0xffff, v1;
	v1 =	vsel vm12, $0x80000000, v0  }
0xec: {  	(xrf0) =	vmax.scan.msk.u32 $0xffff, v1;
	v1 =	vsel vm13, $0x80000000, v0;
	_ =	sdelay $0x2  }
0xed: {  	(xrf0) =	vmax.scan.msk.u32 $0xffff, v1;
	v1, _, _ =	vpop (xrf0)  }
0xee: {  	v2, _, _ =	vpop (xrf0);
	(v2sf) =	vpush v1, $0xF  }
0xef: {  	v1, _, _ =	vpop (xrf0);
	(v2sf) =	vpush v2, $0xF  }
0xf0: {  	(v2sf) =	vpush v1, $0xF  }
0xf1: {  	v2, _, _ =	vpop (xrf0)  }
0xf2: {  	(v2sf) =	vpush v2, $0xF  }
0xf3: {  	v1 =	vsel vm14, $0x80000000, v0;
	v2, _, _ =	vpop (xrf0)  }
0xf4: {  	(xrf0) =	vmax.scan.msk.u32 $0xffff, v1;
	(v2sf) =	vpush v2, $0xF;
	_ =	sdelay $0x2  }
0xf5: {  	v1, _, _ =	vpop (xrf0)  }
0xf6: {  	(v2sf) =	vpush v1, $0xF  }
0xf7: {  	v0 =	vsel vm15, $0x80000000, v0  }
0xf8: {  	v1, _, _ =	vpop (xrf0);
	(xrf0) =	vmax.scan.msk.u32 $0xffff, v0;
	_ =	sdelay $0x2  }
0xf9: {  	s18 =	spop (v2sf)  }
0xfa: {  	(v2sf) =	vpush v1, $0xF;
	s19 =	spop (v2sf)  }
0xfb: {  	s23 =	sshll.u32 s18, $0xB;
	s3 =	sshll.u32 s18, $0x7;
	s21 =	spop (v2sf)  }
0xfc: {  	v0, _, _ =	vpop (xrf0);
	s10 =	sand.u32 $0xFFFFC000, s23;
	s3 =	sand.u32 $0x380, s3;
	s25 =	sshll.u32 s19, $0xB  }
0xfd: {  	(v2sf) =	vpush v0, $0xF;
	s4 =	sshll.u32 s19, $0x7;
	s22 =	spop (v2sf);
	s3 =	sor.u32 s3, s10  }
0xfe: {  	s26 =	sand.u32 $0xFFFFC000, s25;
	s4 =	sand.u32 $0x380, s4;
	s29 =	sshll.u32 s21, $0xB  }
0xff: {  	s6 =	sshll.u32 s21, $0x7;
	s24 =	spop (v2sf);
	s3 =	sadd.s32 $0x200, s3  }
0x100: {  	s6 =	sand.u32 $0x380, s6;
	s13 =	sshll.u32 s22, $0xB;
	s14 =	sshll.u32 s22, $0x7  }
0x101: {  	[dreg:$0xd] =	wrdreg s3;
	s3 =	sor.u32 s4, s26;
	s4 =	sand.u32 $0xFFFFC000, s29  }
0x102: {  	s15 =	sand.u32 $0xFFFFC000, s13;
	s16 =	sand.u32 $0x380, s14;
	s17 =	sshll.u32 s24, $0xB  }
0x103: {  	s18 =	sshll.u32 s24, $0x7;
	s12 =	spop (v2sf);
	s3 =	sadd.s32 $0x200, s3  }
0x104: {  	s6 =	sor.u32 s6, s4;
	s4 =	sand.u32 $0xFFFFC000, s17;
	s11 =	rddreg [dreg:$0xd]  }
0x105: {  	[dreg:$0xe] =	wrdreg s3;
	s3 =	sadd.s32 $0x200, s6;
	s6 =	sand.u32 $0x380, s18  }
0x106: {  	s21 =	sshll.u32 s12, $0xB;
	s22 =	sshll.u32 s12, $0x7;
	[dreg:$0xf] =	wrdreg s3  }
0x107: {  	s3 =	sor.u32 s16, s15;
	s19 =	sor.u32 s6, s4;
	s4 =	sand.u32 $0xFFFFC000, s21  }
0x108: {  	s6 =	sand.u32 $0x380, s22;
	s16 =	sand.u32 $0x60, s7;
	s3 =	sadd.s32 $0x200, s3  }
0x109: {  	s4 =	sor.u32 s6, s4;
	s17 =	sor.u32 $0x10, s16;
	s0 =	spop (v2sf)  }
0x10a: {  	[dreg:$0x10] =	wrdreg s3;
	s3 =	sadd.s32 $0x200, s19;
	s26 =	sadd.s32 $0x200, s4  }
0x10b: {  	s19 =	sand.u32 $0x3C00, s7;
	s23 =	sshll.u32 s0, $0xB;
	s10 =	sshll.u32 s0, $0x7  }
0x10c: {  	[dreg:$0x11] =	wrdreg s3;
	s24 =	sand.u32 $0xFFFFC000, s23;
	s0 =	spop (v2sf)  }
0x10d: {  	s25 =	sand.u32 $0x380, s10;
	s10 =	sshll.u32 s0, $0xB;
	s6 =	sshll.u32 s0, $0x7  }
0x10e: {  	s29 =	sor.u32 s25, s24;
	s12 =	sand.u32 $0xFFFFC000, s10;
	s13 =	sand.u32 $0x380, s6  }
0x10f: {  	[dreg:$0x12] =	wrdreg s26;
	s8 =	sadd.s32 $0x200, s29;
	s3 =	sor.u32 s13, s12  }
0x110: {  	s14 =	sadd.s32 s19, s11;
	[dreg:$0x13] =	wrdreg s8;
	s3 =	sadd.s32 $0x200, s3  }
0x111: {  	s15 =	sadd.s32 s17, s14;
	[dreg:$0x14] =	wrdreg s3  }
0x112: {  	v0 =	vld [tilespmem:s15+$0x0];
	_ =	sdelay $0x1  }
0x113: {  	s18 =	sadd.s32 s16, s14  }
0x114: {  	s21 =	rddreg [dreg:$0xe];
	s22 =	sor.u32 $0xC200, s19;
	v1 =	vld [tilespmem:s18+$0x0]  }
0x115: {  	s4 =	sadd.s32 s19, s21;
	s11 =	sor.u32 s17, s22  }
0x116: {  	s23 =	sadd.s32 s17, s4;
	[tilespmem:s11+$0x0] =	vst.add.f32.msk $0xffff, v0  }
0x117: {  	v0 =	vld [tilespmem:s23+$0x0]  }
0x118: {  	s3 =	sor.u32 s16, s22  }
0x119: {  	s4 =	sadd.s32 s16, s4;
	[tilespmem:s3+$0x0] =	vst.add.f32.msk $0xffff, v1  }
0x11a: {  	s24 =	rddreg [dreg:$0xf];
	v1 =	vld [tilespmem:s4+$0x0]  }
0x11b: {  	s26 =	sor.u32 $0x80, s11;
	s25 =	sadd.s32 s19, s24  }
0x11c: {  	s29 =	sadd.s32 s17, s25;
	[tilespmem:s26+$0x0] =	vst.add.f32.msk $0xffff, v0  }
0x11d: {  	v0 =	vld [tilespmem:s29+$0x0]  }
0x11e: {  	s0 =	sor.u32 $0x80, s3  }
0x11f: {  	s4 =	sadd.s32 s16, s25;
	[tilespmem:s0+$0x0] =	vst.add.f32.msk $0xffff, v1  }
0x120: {  	s8 =	rddreg [dreg:$0x10];
	v1 =	vld [tilespmem:s4+$0x0]  }
0x121: {  	s12 =	sor.u32 $0x100, s11;
	s10 =	sadd.s32 s19, s8  }
0x122: {  	s13 =	sadd.s32 s17, s10;
	[tilespmem:s12+$0x0] =	vst.add.f32.msk $0xffff, v0  }
0x123: {  	v0 =	vld [tilespmem:s13+$0x0]  }
0x124: {  	s14 =	sor.u32 $0x100, s3  }
0x125: {  	s21 =	sor.u32 $0x180, s11;
	[tilespmem:s14+$0x0] =	vst.add.f32.msk $0xffff, v1  }
0x126: {  	s6 =	simm.s32 $0x20;
	s4 =	sadd.s32 s16, s10;
	s15 =	rddreg [dreg:$0x11]  }
0x127: {  	s23 =	rddreg [dreg:$0xd];
	s10 =	simm.s32 $0x100;
	v1 =	vld [tilespmem:s4+$0x0];
	s18 =	sadd.s32 s19, s15  }
0x128: {  	s8 =	sand.u32 $0x60, s6;
	s26 =	sand.u32 $0x3C00, s10;
	s22 =	sadd.s32 s17, s18;
	[tilespmem:s21+$0x0] =	vst.add.f32.msk $0xffff, v0  }
0x129: {  	s12 =	sadd.s32 s26, s23;
	s15 =	sor.u32 $0x10, s8;
	v0 =	vld [tilespmem:s22+$0x0]  }
0x12a: {  	s25 =	sadd.s32 s15, s12  }
0x12b: {  	s24 =	sor.u32 $0x180, s3;
	v2 =	vld [tilespmem:s25+$0x0]  }
0x12c: {  	s4 =	sadd.s32 s16, s18;
	[tilespmem:s24+$0x0] =	vst.add.f32.msk $0xffff, v1  }
0x12d: {  	s13 =	rddreg [dreg:$0x12];
	v1 =	vld [tilespmem:s4+$0x0]  }
0x12e: {  	s12 =	sadd.s32 s8, s12;
	s4 =	sadd.s32 s19, s13;
	[tilespmem:s11+$0x200] =	vst.add.f32.msk $0xffff, v0  }
0x12f: {  	s14 =	sor.u32 $0xC200, s26;
	s0 =	sadd.s32 s17, s4;
	v0 =	vld [tilespmem:s12+$0x0]  }
0x130: {  	s29 =	rddreg [dreg:$0xe];
	s30 =	sor.u32 s15, s14;
	v3 =	vld [tilespmem:s0+$0x0]  }
0x131: {  	s13 =	sadd.s32 s26, s29;
	[tilespmem:s30+$0x0] =	vst.add.f32.msk $0xffff, v2  }
0x132: {  	s18 =	sadd.s32 s15, s13;
	[tilespmem:s3+$0x200] =	vst.add.f32.msk $0xffff, v1  }
0x133: {  	s28 =	sor.u32 s8, s14;
	v1 =	vld [tilespmem:s18+$0x0]  }
0x134: {  	s21 =	rddreg [dreg:$0x13];
	[tilespmem:s28+$0x0] =	vst.add.f32.msk $0xffff, v0  }
0x135: {  	s22 =	sadd.s32 s8, s13;
	s12 =	sadd.s32 s19, s21;
	[tilespmem:s11+$0x280] =	vst.add.f32.msk $0xffff, v3  }
0x136: {  	s14 =	sadd.s32 s17, s12;
	v0 =	vld [tilespmem:s22+$0x0]  }
0x137: {  	s24 =	sand.u32 $0x3, s7;
	s23 =	rddreg [dreg:$0xf];
	v2 =	vld [tilespmem:s14+$0x0]  }
0x138: {  	s25 =	sor.u32 $0x80, s30;
	s11 =	sshll.u32 s24, $0x5;
	s13 =	sadd.s32 s26, s23  }
0x139: {  	[tilespmem:s25+$0x0] =	vst.add.f32.msk $0xffff, v1;
	s11 =	sadd.s32 $0x0, s11;
	s0 =	sadd.s32 s15, s13  }
0x13a: {  	s21 =	sor.u32 $0x80, s28;
	s14 =	sadd.s32 $0x10, s11;
	v1 =	vld [tilespmem:s0+$0x0]  }
0x13b: {  	s29 =	rddreg [dreg:$0x14];
	s22 =	sor.u32 $0x300, s14;
	[tilespmem:s21+$0x0] =	vst.add.f32.msk $0xffff, v0  }
0x13c: {  	s18 =	sadd.s32 s19, s29;
	s13 =	sadd.s32 s8, s13;
	[tilespmem:s22+$0xC200] =	vst.add.f32.msk $0xffff, v2  }
0x13d: {  	s24 =	sadd.s32 s17, s18;
	v0 =	vld [tilespmem:s13+$0x0]  }
0x13e: {  	s4 =	sadd.s32 s16, s4;
	s23 =	rddreg [dreg:$0x10];
	v2 =	vld [tilespmem:s24+$0x0]  }
0x13f: {  	v3 =	vld [tilespmem:s4+$0x0];
	s29 =	sor.u32 $0x100, s30;
	s25 =	sadd.s32 s26, s23  }
0x140: {  	[tilespmem:s29+$0x0] =	vst.add.f32.msk $0xffff, v1;
	s0 =	sadd.s32 s15, s25  }
0x141: {  	s17 =	sor.u32 $0x100, s28;
	v1 =	vld [tilespmem:s0+$0x0]  }
0x142: {  	s19 =	sor.u32 $0x380, s14;
	[tilespmem:s17+$0x0] =	vst.add.f32.msk $0xffff, v0  }
0x143: {  	s4 =	sadd.s32 s8, s25;
	[tilespmem:s19+$0xC200] =	vst.add.f32.msk $0xffff, v2  }
0x144: {  	v2 =	vld [tilespmem:s4+$0x0]  }
0x145: {  	[tilespmem:s3+$0x280] =	vst.add.f32.msk $0xffff, v3;
	s22 =	sadd.s32 s16, s12;
	s21 =	rddreg [dreg:$0x11]  }
0x146: {  	s24 =	sor.u32 $0x180, s30;
	v0 =	vld [tilespmem:s22+$0x0];
	s23 =	sadd.s32 s26, s21  }
0x147: {  	[tilespmem:s24+$0x0] =	vst.add.f32.msk $0xffff, v1;
	s25 =	sadd.s32 s15, s23  }
0x148: {  	s31 =	simm.s32 $0x2;
	s14 =	sadd.s32 s16, s18;
	s29 =	sor.u32 $0x180, s28;
	v1 =	vld [tilespmem:s25+$0x0]  }
0x149: {  	s3 =	sshll.u32 s1, $0x2;
	s16 =	simm.s32 $0x100;
	s4 =	sadd.s32 s8, s23;
	[tilespmem:s29+$0x0] =	vst.add.f32.msk $0xffff, v2  }
0x14a: {  	s17 =	sor.u32 $0x300, s11;
	s19 =	sor.u32 $0x380, s11;
	s11 =	rddreg [dreg:$0x12];
	v2 =	vld [tilespmem:s4+$0x0]  }
.LBB2_5:
0x14b: {  	_ = 	snop  }
0x14c: {  	[tilespmem:s17+$0xC200] =	vst.add.f32.msk $0xffff, v0  }
0x14d: {  	s4 =	rddreg [dreg:$0xd];
	s10 =	sadd.s32 $0x100, s10;
	v3 =	vld [tilespmem:s14+$0x0]  }
0x14e: {  	s21 =	sadd.s32 s26, s11;
	s6 =	sadd.s32 $0x20, s6;
	s11 =	sand.u32 $0x3C00, s10;
	[tilespmem:s30+$0x200] =	vst.add.f32.msk $0xffff, v1  }
0x14f: {  	s12 =	sand.u32 $0x60, s6;
	s22 =	sadd.s32 s15, s21;
	s4 =	sadd.s32 s11, s4;
	[tilespmem:s28+$0x200] =	vst.add.f32.msk $0xffff, v2  }
0x150: {  	s23 =	sadd.s32 s12, s4;
	v0 =	vld [tilespmem:s22+$0x0]  }
0x151: {  	s13 =	sor.u32 $0x10, s12;
	v2 =	vld [tilespmem:s23+$0x0]  }
0x152: {  	s4 =	sadd.s32 s13, s4  }
0x153: {  	s17 =	sadd.s32 s8, s21;
	v1 =	vld [tilespmem:s4+$0x0]  }
0x154: {  	s18 =	rddreg [dreg:$0x13];
	s25 =	sor.u32 $0xC200, s11;
	v4 =	vld [tilespmem:s17+$0x0]  }
0x155: {  	s24 =	rddreg [dreg:$0xe];
	s14 =	sadd.s32 s26, s18;
	s23 =	sor.u32 s12, s25;
	[tilespmem:s30+$0x280] =	vst.add.f32.msk $0xffff, v0  }
0x156: {  	s7 =	sadd.s32 $0x1, s7;
	s18 =	sadd.s32 s15, s14;
	s4 =	sadd.s32 s11, s24;
	[tilespmem:s23+$0x0] =	vst.add.f32.msk $0xffff, v2  }
0x157: {  	s21 =	sand.u32 $0x3, s7;
	s29 =	sadd.s32 s13, s4;
	s4 =	sadd.s32 s12, s4;
	v0 =	vld [tilespmem:s18+$0x0]  }
0x158: {  	s21 =	sshll.u32 s21, $0x5;
	s30 =	sor.u32 s13, s25;
	v2 =	vld [tilespmem:s4+$0x0]  }
0x159: {  	s16 =	sadd.s32 s21, s16;
	[tilespmem:s30+$0x0] =	vst.add.f32.msk $0xffff, v1  }
0x15a: {  	s21 =	sadd.s32 $0x10, s16;
	v1 =	vld [tilespmem:s29+$0x0]  }
0x15b: {  	s22 =	rddreg [dreg:$0x14];
	s24 =	sor.u32 $0x300, s21  }
0x15c: {  	s22 =	sadd.s32 s26, s22;
	s18 =	sor.u32 $0x80, s23;
	[tilespmem:s24+$0xC200] =	vst.add.f32.msk $0xffff, v0  }
0x15d: {  	s0 =	rddreg [dreg:$0xf];
	s24 =	sadd.s32 s15, s22;
	[tilespmem:s18+$0x0] =	vst.add.f32.msk $0xffff, v2  }
0x15e: {  	s26 =	sor.u32 $0x80, s30;
	s15 =	sadd.s32 s11, s0;
	v0 =	vld [tilespmem:s24+$0x0]  }
0x15f: {  	s0 =	sadd.s32 s12, s15;
	[tilespmem:s26+$0x0] =	vst.add.f32.msk $0xffff, v1;
	s15 =	sadd.s32 s13, s15  }
0x160: {  	v1 =	vld [tilespmem:s15+$0x0]  }
0x161: {  	v2 =	vld [tilespmem:s0+$0x0];
	_ =	sdelay $0x1  }
0x162: {  	s15 =	smov.u32 s13;
	s13 =	sor.u32 $0x380, s21;
	[tilespmem:s28+$0x280] =	vst.add.f32.msk $0xffff, v4  }
0x163: {  	s24 =	rddreg [dreg:$0x10];
	s26 =	smov.u32 s11;
	s21 =	sor.u32 $0x100, s30;
	[tilespmem:s13+$0xC200] =	vst.add.f32.msk $0xffff, v0  }
0x164: {  	s4 =	sor.u32 $0x100, s23;
	s29 =	sadd.s32 s8, s14;
	s18 =	sadd.s32 s26, s24;
	[tilespmem:s21+$0x0] =	vst.add.f32.msk $0xffff, v1  }
0x165: {  	s14 =	sadd.s32 s8, s22;
	s8 =	smov.u32 s12;
	s0 =	sadd.s32 s15, s18;
	[tilespmem:s4+$0x0] =	vst.add.f32.msk $0xffff, v2  }
0x166: {  	s12 =	sadd.s32 s8, s18;
	v1 =	vld [tilespmem:s0+$0x0]  }
0x167: {  	v2 =	vld [tilespmem:s12+$0x0]  }
0x168: {  	s31 =	sadd.s32 $0x2, s31  }
0x169: {  	p0 =	slt.u32 s31, $0x7E;
	s25 =	sor.u32 $0x180, s23;
	s28 =	smov.u32 s23;
	v0 =	vld [tilespmem:s29+$0x0]  }
.Ltmp3:
0x16a: {  	s23 =	rddreg [dreg:$0x11];
	s24 =	sor.u32 $0x180, s30;
	[tilespmem:s19+$0xC200] =	vst.add.f32.msk $0xffff, v3;
	(pc) =	sbr.rel @p0 .LBB2_5-.Ltmp3, $4  }
0x16b: {  	s0 =	sadd.s32 s26, s23;
	[tilespmem:s24+$0x0] =	vst.add.f32.msk $0xffff, v1  }
0x16c: {  	s29 =	sadd.s32 s8, s0;
	s0 =	sadd.s32 s15, s0;
	[tilespmem:s25+$0x0] =	vst.add.f32.msk $0xffff, v2  }
0x16d: {  	s17 =	sor.u32 $0x300, s16;
	s22 =	sor.u32 $0x380, s16;
	v1 =	vld [tilespmem:s0+$0x0]  }
0x16e: {  	s16 =	smov.u32 s10;
	s11 =	rddreg [dreg:$0x12];
	s19 =	smov.u32 s22;
	v2 =	vld [tilespmem:s29+$0x0]  }
0x16f: {  	_ =	sdelay $0x1  }
0x170: {  	s0 =	sadd.s32 s26, s11  }
0x171: {  	s4 =	sadd.s32 s15, s0;
	[tilespmem:s30+$0x200] =	vst.add.f32.msk $0xffff, v1  }
0x172: {  	v1 =	vld [tilespmem:s4+$0x0]  }
0x173: {  	s0 =	sadd.s32 s8, s0;
	[tilespmem:s28+$0x200] =	vst.add.f32.msk $0xffff, v2  }
0x174: {  	v2 =	vld [tilespmem:s0+$0x0]  }
0x175: {  	s21 =	rddreg [dreg:$0x13]  }
0x176: {  	s22 =	sadd.s32 s26, s21  }
0x177: {  	s6 =	sadd.s32 $0x1, s7;
	s4 =	sadd.s32 s15, s22;
	[tilespmem:s30+$0x280] =	vst.add.f32.msk $0xffff, v1  }
0x178: {  	s6 =	sand.u32 $0x3, s6;
	v1 =	vld [tilespmem:s4+$0x0]  }
0x179: {  	s6 =	sshll.u32 s6, $0x5;
	s0 =	sadd.s32 s8, s22;
	s23 =	rddreg [dreg:$0x14];
	[tilespmem:s28+$0x280] =	vst.add.f32.msk $0xffff, v2  }
0x17a: {  	s6 =	sadd.s32 s6, s16;
	v2 =	vld [tilespmem:s0+$0x0]  }
0x17b: {  	[tilespmem:s17+$0xC200] =	vst.add.f32.msk $0xffff, v0;
	s24 =	sadd.s32 $0x10, s6  }
0x17c: {  	v0 =	vld [tilespmem:s14+$0x0];
	s25 =	sor.u32 $0x300, s24;
	s4 =	sadd.s32 s26, s23  }
0x17d: {  	s26 =	sadd.s32 s15, s4;
	[tilespmem:s25+$0xC200] =	vst.add.f32.msk $0xffff, v1  }
0x17e: {  	s10 =	sor.u32 $0x300, s6;
	v1 =	vld [tilespmem:s26+$0x0]  }
0x17f: {  	s4 =	sadd.s32 s8, s4;
	[tilespmem:s10+$0xC200] =	vst.add.f32.msk $0xffff, v2  }
0x180: {  	v2 =	vld [tilespmem:s4+$0x0];
	_ =	sdelay $0x1  }
0x181: {  	s29 =	sadd.s32 s3, s9  }
0x182: {  	s7 =	sshll.u32 s29, $0xB;
	[tilespmem:s19+$0xC200] =	vst.add.f32.msk $0xffff, v0;
	s0 =	sor.u32 $0x380, s24;
	s10 =	rddreg [dreg:$0x3]  }
0x183: {  	s8 =	sor.u32 $0x380, s6;
	[tilespmem:s0+$0xC200] =	vst.add.f32.msk $0xffff, v1;
	s0 =	sadd.s32 s10, s7  }
0x184: {  	s11 =	simm.s32 $0xC200;
	p0 =	seq.s32 s1, $0xF;
	[tilespmem:s8+$0xC200] =	vst.add.f32.msk $0xffff, v2;
	s0 =	sadd.s32 $0x800, s0  }
0x185: {  	[hbm4b:s0+s5] =	stream.linear.scatter [tilespmem:s11], [sflag:$0x6], $0x4000, $0x38;
	[tilespmem:$0x18200] =	vst v63  }
0x186: {  	s0 =	simm.s32 @!p0 $0x5  }
0x187: {  	_ =	swait.ge @!p0 [sflag:s0], $0x4000  }
0x188: {  	s4 =	sld [smem:$0x7FA];
	_ =	sdelay $0x2  }
0x189: {  	[sflag:s0] =	ssyncset.done @!p0 $0x0;
	s4 =	sadd.s32 @!p0 s3, s4  }
0x18a: {  	[sflag:s0] =	ssyncadd.s32 @!p0 $0xFFFFC000;
	s4 =	sshll.u32 @!p0 s4, $0xB  }
0x18b: {  	s12 =	simm.s32 $0x3;
	s0 =	sand.u32 @!p0 $0x1FFFE000, s4;
	s4 =	rddreg [dreg:$0x0]  }
0x18c: {  	s6 =	simm.s32 @!p0 $0x8200;
	s0 =	sadd.s32 @!p0 s4, s0;
	s4 =	simm.s32 @!p0 $0x0  }
0x18d: {  	[tilespmem:s6], [sflag:$0x1] =	stream.linear.gather @!p0 [hbm4b:s0+s4], $0x4000, $0x38;
	[tilespmem:$0x18200] =	vst v63  }
0x18e: {  	s7 =	sor.u32 $0x2, s3;
	_ =	swait.ge [sflag:s12], $0x4000  }
0x18f: {  	s13 =	sshll.u32 s7, $0x3;
	[sflag:s12] =	ssyncset.done $0x0  }
0x190: {  	s0 =	sand.u32 $0x3FFFFFF8, s13;
	[sflag:s12] =	ssyncadd.s32 $0xFFFFC000  }
0x191: {  	v0 =	vld [tilespmem:s0+$0x0];
	_ =	sdelay $0x4  }
0x192: {  	v1 =	vnsel vm0, $0x0, v0  }
0x193: {  	v2 =	vsel vm1, $0x0, v0;
	v1 =	vxor.u32 $0x80000000, v1  }
0x194: {  	(xrf0) =	vmax.scan.msk.u32 $0xffff, v1;
	v1 =	vxor.u32 $0x80000000, v2;
	v2 =	vsel vm2, $0x0, v0  }
0x195: {  	(xrf0) =	vmax.scan.msk.u32 $0xffff, v1;
	v1 =	vxor.u32 $0x80000000, v2;
	v2 =	vsel vm3, $0x0, v0  }
0x196: {  	(xrf0) =	vmax.scan.msk.u32 $0xffff, v1;
	v1 =	vxor.u32 $0x80000000, v2;
	v2 =	vsel vm4, $0x0, v0  }
0x197: {  	(xrf0) =	vmax.scan.msk.u32 $0xffff, v1;
	v1 =	vxor.u32 $0x80000000, v2;
	v2 =	vsel vm5, $0x0, v0  }
0x198: {  	(xrf0) =	vmax.scan.msk.u32 $0xffff, v1;
	v1 =	vxor.u32 $0x80000000, v2;
	_ =	sdelay $0x2  }
0x199: {  	(xrf0) =	vmax.scan.msk.u32 $0xffff, v1;
	v1, _, _ =	vpop (xrf0)  }
0x19a: {  	v2, _, _ =	vpop (xrf0);
	(v2sf) =	vpush v1, $0xF  }
0x19b: {  	v1, _, _ =	vpop (xrf0);
	(v2sf) =	vpush v2, $0xF  }
0x19c: {  	(v2sf) =	vpush v1, $0xF  }
0x19d: {  	v2 =	vsel vm6, $0x0, v0;
	v3, _, _ =	vpop (xrf0)  }
0x19e: {  	v1 =	vxor.u32 $0x80000000, v2;
	(v2sf) =	vpush v3, $0xF;
	_ =	sdelay $0x1  }
0x19f: {  	(xrf0) =	vmax.scan.msk.u32 $0xffff, v1;
	v2, _, _ =	vpop (xrf0)  }
0x1a0: {  	v1, _, _ =	vpop (xrf0);
	(v2sf) =	vpush v2, $0xF  }
0x1a1: {  	(v2sf) =	vpush v1, $0xF;
	_ =	sdelay $0x1  }
0x1a2: {  	v0 =	vsel vm7, $0x0, v0  }
0x1a3: {  	v0 =	vxor.u32 $0x80000000, v0  }
0x1a4: {  	v1, _, _ =	vpop (xrf0);
	(xrf0) =	vmax.scan.msk.u32 $0xffff, v0;
	_ =	sdelay $0x2  }
0x1a5: {  	s14 =	spop (v2sf)  }
0x1a6: {  	(v2sf) =	vpush v1, $0xF;
	s15 =	spop (v2sf);
	s18 =	sshll.u32 s14, $0xB  }
0x1a7: {  	s0 =	sshll.u32 s14, $0x7;
	s16 =	spop (v2sf);
	s10 =	sand.u32 $0xFFFFC000, s18  }
0x1a8: {  	v0, _, _ =	vpop (xrf0);
	s0 =	sand.u32 $0x380, s0;
	s21 =	sshll.u32 s15, $0xB;
	s4 =	sshll.u32 s15, $0x7  }
0x1a9: {  	(v2sf) =	vpush v0, $0xF;
	s17 =	spop (v2sf);
	s0 =	sor.u32 s0, s10;
	s22 =	sand.u32 $0xFFFFC000, s21  }
0x1aa: {  	s4 =	sand.u32 $0x380, s4;
	s23 =	sshll.u32 s16, $0xB;
	s6 =	sshll.u32 s16, $0x7  }
0x1ab: {  	s0 =	sadd.s32 $0x200, s0;
	s6 =	sand.u32 $0x380, s6;
	s26 =	sshll.u32 s17, $0xB  }
0x1ac: {  	s29 =	sshll.u32 s17, $0x7;
	s19 =	spop (v2sf);
	[dreg:$0x15] =	wrdreg s0  }
0x1ad: {  	s0 =	sor.u32 s4, s22;
	s4 =	sand.u32 $0xFFFFC000, s23;
	s12 =	spop (v2sf)  }
0x1ae: {  	s0 =	sadd.s32 $0x200, s0;
	s25 =	sor.u32 s6, s4;
	s4 =	sand.u32 $0xFFFFC000, s26  }
0x1af: {  	s6 =	sand.u32 $0x380, s29;
	s8 =	sshll.u32 s19, $0xB;
	[dreg:$0x16] =	wrdreg s0  }
0x1b0: {  	s11 =	sshll.u32 s19, $0x7;
	s0 =	sadd.s32 $0x200, s25;
	s25 =	rddreg [dreg:$0x15]  }
0x1b1: {  	s14 =	sshll.u32 s12, $0xB;
	s15 =	sshll.u32 s12, $0x7;
	[dreg:$0x17] =	wrdreg s0  }
0x1b2: {  	s0 =	sor.u32 s6, s4;
	s4 =	sand.u32 $0xFFFFC000, s8;
	s6 =	sand.u32 $0x380, s11  }
0x1b3: {  	s8 =	simm.s32 $0x0;
	s0 =	sadd.s32 $0x200, s0;
	s13 =	sor.u32 s6, s4  }
0x1b4: {  	s4 =	sand.u32 $0xFFFFC000, s14;
	s6 =	sand.u32 $0x380, s15;
	s31 =	sand.u32 $0x60, s8  }
0x1b5: {  	s14 =	sand.u32 $0x3C00, s8;
	s24 =	spop (v2sf);
	[dreg:$0x18] =	wrdreg s0  }
0x1b6: {  	s0 =	sadd.s32 $0x200, s13;
	s4 =	sor.u32 s6, s4;
	s26 =	sadd.s32 s14, s25  }
0x1b7: {  	s16 =	sshll.u32 s24, $0xB;
	s10 =	sshll.u32 s24, $0x7;
	[dreg:$0x19] =	wrdreg s0  }
0x1b8: {  	s19 =	sadd.s32 $0x200, s4;
	s17 =	sand.u32 $0xFFFFC000, s16;
	s23 =	spop (v2sf)  }
0x1b9: {  	s18 =	sand.u32 $0x380, s10;
	s24 =	sshll.u32 s23, $0xB;
	s4 =	sshll.u32 s23, $0x7  }
0x1ba: {  	s21 =	sor.u32 s18, s17;
	s0 =	sand.u32 $0xFFFFC000, s24;
	s4 =	sand.u32 $0x380, s4  }
0x1bb: {  	[dreg:$0x1a] =	wrdreg s19;
	s22 =	sadd.s32 $0x200, s21;
	s0 =	sor.u32 s4, s0  }
0x1bc: {  	s17 =	sor.u32 $0x10, s31;
	[dreg:$0x1b] =	wrdreg s22;
	s0 =	sadd.s32 $0x200, s0  }
0x1bd: {  	s29 =	sadd.s32 s17, s26;
	[dreg:$0x1c] =	wrdreg s0  }
0x1be: {  	v0 =	vld [tilespmem:s29+$0x0];
	_ =	sdelay $0x1  }
0x1bf: {  	s4 =	sadd.s32 s31, s26  }
0x1c0: {  	s6 =	rddreg [dreg:$0x16];
	s10 =	sor.u32 $0x10200, s14;
	v1 =	vld [tilespmem:s4+$0x0]  }
0x1c1: {  	s11 =	sor.u32 s17, s10;
	s4 =	sadd.s32 s14, s6  }
0x1c2: {  	s12 =	sadd.s32 s17, s4;
	[tilespmem:s11+$0x0] =	vst.add.f32.msk $0xffff, v0  }
0x1c3: {  	v0 =	vld [tilespmem:s12+$0x0]  }
0x1c4: {  	s16 =	sor.u32 s31, s10  }
0x1c5: {  	s13 =	sadd.s32 s31, s4;
	[tilespmem:s16+$0x0] =	vst.add.f32.msk $0xffff, v1  }
0x1c6: {  	s15 =	rddreg [dreg:$0x17];
	v1 =	vld [tilespmem:s13+$0x0]  }
0x1c7: {  	s19 =	sor.u32 $0x80, s11;
	s18 =	sadd.s32 s14, s15  }
0x1c8: {  	s21 =	sadd.s32 s17, s18;
	[tilespmem:s19+$0x0] =	vst.add.f32.msk $0xffff, v0  }
0x1c9: {  	v0 =	vld [tilespmem:s21+$0x0]  }
0x1ca: {  	s22 =	sor.u32 $0x80, s16  }
0x1cb: {  	s0 =	sadd.s32 s31, s18;
	[tilespmem:s22+$0x0] =	vst.add.f32.msk $0xffff, v1  }
0x1cc: {  	s23 =	rddreg [dreg:$0x18];
	v1 =	vld [tilespmem:s0+$0x0]  }
0x1cd: {  	s25 =	sor.u32 $0x100, s11;
	s24 =	sadd.s32 s14, s23  }
0x1ce: {  	s26 =	sadd.s32 s17, s24;
	[tilespmem:s25+$0x0] =	vst.add.f32.msk $0xffff, v0  }
0x1cf: {  	v0 =	vld [tilespmem:s26+$0x0]  }
0x1d0: {  	s29 =	sor.u32 $0x100, s16  }
0x1d1: {  	s0 =	sadd.s32 s31, s24;
	[tilespmem:s29+$0x0] =	vst.add.f32.msk $0xffff, v1  }
0x1d2: {  	s10 =	rddreg [dreg:$0x19];
	v1 =	vld [tilespmem:s0+$0x0]  }
0x1d3: {  	s13 =	sor.u32 $0x180, s11;
	s12 =	sadd.s32 s14, s10  }
0x1d4: {  	s6 =	simm.s32 $0x100;
	s15 =	sadd.s32 s17, s12;
	[tilespmem:s13+$0x0] =	vst.add.f32.msk $0xffff, v0  }
0x1d5: {  	s28 =	sand.u32 $0x3C00, s6;
	s26 =	simm.s32 $0x20;
	v0 =	vld [tilespmem:s15+$0x0]  }
0x1d6: {  	s18 =	rddreg [dreg:$0x15];
	s19 =	sor.u32 $0x180, s16;
	s10 =	sand.u32 $0x60, s26  }
0x1d7: {  	s0 =	sadd.s32 s31, s12;
	s12 =	sadd.s32 s28, s18;
	[tilespmem:s19+$0x0] =	vst.add.f32.msk $0xffff, v1;
	s15 =	sor.u32 $0x10, s10  }
0x1d8: {  	v1 =	vld [tilespmem:s0+$0x0];
	s22 =	sadd.s32 s15, s12  }
0x1d9: {  	s21 =	rddreg [dreg:$0x1a];
	v2 =	vld [tilespmem:s22+$0x0]  }
0x1da: {  	s23 =	sadd.s32 s10, s12;
	s0 =	sadd.s32 s14, s21;
	[tilespmem:s11+$0x200] =	vst.add.f32.msk $0xffff, v0  }
0x1db: {  	s13 =	sadd.s32 s17, s0;
	v0 =	vld [tilespmem:s23+$0x0]  }
0x1dc: {  	s24 =	rddreg [dreg:$0x16];
	s25 =	sor.u32 $0x10200, s28;
	v3 =	vld [tilespmem:s13+$0x0]  }
0x1dd: {  	s12 =	sadd.s32 s28, s24;
	s19 =	sor.u32 s15, s25;
	[tilespmem:s16+$0x200] =	vst.add.f32.msk $0xffff, v1  }
0x1de: {  	s18 =	sadd.s32 s15, s12;
	[tilespmem:s19+$0x0] =	vst.add.f32.msk $0xffff, v2  }
0x1df: {  	s30 =	sor.u32 s10, s25;
	v1 =	vld [tilespmem:s18+$0x0]  }
0x1e0: {  	s29 =	rddreg [dreg:$0x1b];
	[tilespmem:s30+$0x0] =	vst.add.f32.msk $0xffff, v0  }
0x1e1: {  	s4 =	sadd.s32 s14, s29;
	s18 =	sadd.s32 s10, s12;
	[tilespmem:s11+$0x280] =	vst.add.f32.msk $0xffff, v3  }
0x1e2: {  	s13 =	sadd.s32 s17, s4;
	v0 =	vld [tilespmem:s18+$0x0]  }
0x1e3: {  	s22 =	sand.u32 $0x3, s8;
	s21 =	rddreg [dreg:$0x17];
	v2 =	vld [tilespmem:s13+$0x0]  }
0x1e4: {  	s23 =	sor.u32 $0x80, s19;
	s11 =	sshll.u32 s22, $0x5;
	s12 =	sadd.s32 s28, s21  }
0x1e5: {  	s21 =	sadd.s32 $0x0, s11;
	[tilespmem:s23+$0x0] =	vst.add.f32.msk $0xffff, v1;
	s25 =	sadd.s32 s15, s12  }
0x1e6: {  	s29 =	sor.u32 $0x80, s30;
	s11 =	sadd.s32 $0x10, s21;
	v1 =	vld [tilespmem:s25+$0x0]  }
0x1e7: {  	s24 =	rddreg [dreg:$0x1c];
	s22 =	sor.u32 $0x300, s11;
	[tilespmem:s29+$0x0] =	vst.add.f32.msk $0xffff, v0  }
0x1e8: {  	s14 =	sadd.s32 s14, s24;
	s12 =	sadd.s32 s10, s12;
	[tilespmem:s22+$0x10200] =	vst.add.f32.msk $0xffff, v2  }
0x1e9: {  	s24 =	sadd.s32 s17, s14;
	v0 =	vld [tilespmem:s12+$0x0]  }
0x1ea: {  	s0 =	sadd.s32 s31, s0;
	s23 =	rddreg [dreg:$0x18];
	v2 =	vld [tilespmem:s24+$0x0]  }
0x1eb: {  	v3 =	vld [tilespmem:s0+$0x0];
	s29 =	sor.u32 $0x100, s19;
	s25 =	sadd.s32 s28, s23  }
0x1ec: {  	[tilespmem:s29+$0x0] =	vst.add.f32.msk $0xffff, v1;
	s13 =	sadd.s32 s15, s25  }
0x1ed: {  	s17 =	sor.u32 $0x100, s30;
	v1 =	vld [tilespmem:s13+$0x0]  }
0x1ee: {  	s11 =	sor.u32 $0x380, s11;
	[tilespmem:s17+$0x0] =	vst.add.f32.msk $0xffff, v0  }
0x1ef: {  	s0 =	sadd.s32 s10, s25;
	[tilespmem:s11+$0x10200] =	vst.add.f32.msk $0xffff, v2  }
0x1f0: {  	v2 =	vld [tilespmem:s0+$0x0]  }
0x1f1: {  	[tilespmem:s16+$0x280] =	vst.add.f32.msk $0xffff, v3;
	s22 =	sadd.s32 s31, s4;
	s18 =	rddreg [dreg:$0x19]  }
0x1f2: {  	s24 =	sor.u32 $0x180, s19;
	v0 =	vld [tilespmem:s22+$0x0];
	s23 =	sadd.s32 s28, s18  }
0x1f3: {  	[tilespmem:s24+$0x0] =	vst.add.f32.msk $0xffff, v1;
	s25 =	sadd.s32 s15, s23  }
0x1f4: {  	s14 =	sadd.s32 s31, s14;
	s29 =	sor.u32 $0x180, s30;
	v1 =	vld [tilespmem:s25+$0x0]  }
0x1f5: {  	s16 =	simm.s32 $0x2;
	s31 =	sor.u32 $0x380, s21;
	s0 =	sadd.s32 s10, s23;
	[tilespmem:s29+$0x0] =	vst.add.f32.msk $0xffff, v2  }
0x1f6: {  	s17 =	simm.s32 $0x100;
	s11 =	sor.u32 $0x300, s21;
	s12 =	rddreg [dreg:$0x1a];
	v2 =	vld [tilespmem:s0+$0x0]  }
.LBB2_7:
0x1f7: {  	_ = 	snop  }
0x1f8: {  	[tilespmem:s11+$0x10200] =	vst.add.f32.msk $0xffff, v0  }
0x1f9: {  	s0 =	rddreg [dreg:$0x15];
	s6 =	sadd.s32 $0x100, s6;
	v3 =	vld [tilespmem:s14+$0x0]  }
0x1fa: {  	s4 =	sadd.s32 s28, s12;
	s26 =	sadd.s32 $0x20, s26;
	s12 =	sand.u32 $0x3C00, s6;
	[tilespmem:s19+$0x200] =	vst.add.f32.msk $0xffff, v1  }
0x1fb: {  	s13 =	sand.u32 $0x60, s26;
	s0 =	sadd.s32 s12, s0;
	s14 =	sadd.s32 s15, s4;
	[tilespmem:s30+$0x200] =	vst.add.f32.msk $0xffff, v2  }
0x1fc: {  	s21 =	sadd.s32 s13, s0;
	v0 =	vld [tilespmem:s14+$0x0]  }
0x1fd: {  	s18 =	sor.u32 $0x10, s13;
	v2 =	vld [tilespmem:s21+$0x0]  }
0x1fe: {  	s0 =	sadd.s32 s18, s0  }
0x1ff: {  	s22 =	rddreg [dreg:$0x1b];
	s4 =	sadd.s32 s10, s4;
	v1 =	vld [tilespmem:s0+$0x0]  }
0x200: {  	s23 =	rddreg [dreg:$0x16];
	s24 =	sor.u32 $0x10200, s12;
	v4 =	vld [tilespmem:s4+$0x0]  }
0x201: {  	s4 =	sadd.s32 s28, s22;
	s0 =	sadd.s32 s12, s23;
	s23 =	sor.u32 s13, s24;
	[tilespmem:s19+$0x280] =	vst.add.f32.msk $0xffff, v0  }
0x202: {  	s8 =	sadd.s32 $0x1, s8;
	s14 =	sadd.s32 s15, s4;
	[tilespmem:s23+$0x0] =	vst.add.f32.msk $0xffff, v2  }
0x203: {  	s21 =	sand.u32 $0x3, s8;
	s25 =	sadd.s32 s18, s0;
	s0 =	sadd.s32 s13, s0;
	v0 =	vld [tilespmem:s14+$0x0]  }
0x204: {  	s21 =	sshll.u32 s21, $0x5;
	s19 =	sor.u32 s18, s24;
	v2 =	vld [tilespmem:s0+$0x0]  }
0x205: {  	s17 =	sadd.s32 s21, s17;
	[tilespmem:s19+$0x0] =	vst.add.f32.msk $0xffff, v1  }
0x206: {  	s24 =	sadd.s32 $0x10, s17;
	v1 =	vld [tilespmem:s25+$0x0]  }
0x207: {  	s22 =	rddreg [dreg:$0x1c];
	s29 =	sor.u32 $0x300, s24  }
0x208: {  	s21 =	sor.u32 $0x80, s23;
	s14 =	sadd.s32 s28, s22;
	[tilespmem:s29+$0x10200] =	vst.add.f32.msk $0xffff, v0  }
0x209: {  	s11 =	rddreg [dreg:$0x17];
	s29 =	sadd.s32 s15, s14;
	[tilespmem:s21+$0x0] =	vst.add.f32.msk $0xffff, v2  }
0x20a: {  	s22 =	sadd.s32 s12, s11;
	s28 =	sor.u32 $0x80, s19;
	v0 =	vld [tilespmem:s29+$0x0]  }
0x20b: {  	s29 =	sadd.s32 s13, s22;
	[tilespmem:s28+$0x0] =	vst.add.f32.msk $0xffff, v1;
	s22 =	sadd.s32 s18, s22  }
0x20c: {  	v1 =	vld [tilespmem:s22+$0x0]  }
0x20d: {  	v2 =	vld [tilespmem:s29+$0x0];
	_ =	sdelay $0x1  }
0x20e: {  	s24 =	sor.u32 $0x380, s24;
	s21 =	rddreg [dreg:$0x18];
	[tilespmem:s30+$0x280] =	vst.add.f32.msk $0xffff, v4  }
0x20f: {  	s15 =	smov.u32 s18;
	s28 =	smov.u32 s12;
	s18 =	sor.u32 $0x100, s19;
	[tilespmem:s24+$0x10200] =	vst.add.f32.msk $0xffff, v0  }
0x210: {  	s4 =	sadd.s32 s10, s4;
	s0 =	sor.u32 $0x100, s23;
	s29 =	sadd.s32 s28, s21;
	[tilespmem:s18+$0x0] =	vst.add.f32.msk $0xffff, v1  }
0x211: {  	s14 =	sadd.s32 s10, s14;
	s10 =	smov.u32 s13;
	s12 =	sadd.s32 s15, s29;
	[tilespmem:s0+$0x0] =	vst.add.f32.msk $0xffff, v2  }
0x212: {  	s21 =	sadd.s32 s10, s29;
	v1 =	vld [tilespmem:s12+$0x0]  }
0x213: {  	v2 =	vld [tilespmem:s21+$0x0]  }
0x214: {  	s16 =	sadd.s32 $0x2, s16  }
0x215: {  	p1 =	slt.u32 s16, $0x7E;
	s25 =	sor.u32 $0x180, s23;
	s30 =	smov.u32 s23;
	v0 =	vld [tilespmem:s4+$0x0]  }
.Ltmp4:
0x216: {  	s23 =	rddreg [dreg:$0x19];
	s24 =	sor.u32 $0x180, s19;
	[tilespmem:s31+$0x10200] =	vst.add.f32.msk $0xffff, v3;
	(pc) =	sbr.rel @p1 .LBB2_7-.Ltmp4, $4  }
0x217: {  	s0 =	sadd.s32 s28, s23;
	[tilespmem:s24+$0x0] =	vst.add.f32.msk $0xffff, v1  }
0x218: {  	s29 =	sadd.s32 s10, s0;
	s0 =	sadd.s32 s15, s0;
	[tilespmem:s25+$0x0] =	vst.add.f32.msk $0xffff, v2  }
0x219: {  	s11 =	sor.u32 $0x300, s17;
	s22 =	sor.u32 $0x380, s17;
	v1 =	vld [tilespmem:s0+$0x0]  }
0x21a: {  	s17 =	smov.u32 s6;
	s31 =	smov.u32 s22;
	s12 =	rddreg [dreg:$0x1a];
	v2 =	vld [tilespmem:s29+$0x0]  }
0x21b: {  	_ =	sdelay $0x1  }
0x21c: {  	s0 =	sadd.s32 s28, s12  }
0x21d: {  	s4 =	sadd.s32 s15, s0;
	[tilespmem:s19+$0x200] =	vst.add.f32.msk $0xffff, v1  }
0x21e: {  	v1 =	vld [tilespmem:s4+$0x0]  }
0x21f: {  	s0 =	sadd.s32 s10, s0;
	[tilespmem:s30+$0x200] =	vst.add.f32.msk $0xffff, v2  }
0x220: {  	v2 =	vld [tilespmem:s0+$0x0]  }
0x221: {  	s18 =	rddreg [dreg:$0x1b]  }
0x222: {  	s21 =	sadd.s32 s28, s18  }
0x223: {  	s6 =	sadd.s32 $0x1, s8;
	s4 =	sadd.s32 s15, s21;
	[tilespmem:s19+$0x280] =	vst.add.f32.msk $0xffff, v1  }
0x224: {  	s6 =	sand.u32 $0x3, s6;
	v1 =	vld [tilespmem:s4+$0x0]  }
0x225: {  	s6 =	sshll.u32 s6, $0x5;
	s0 =	sadd.s32 s10, s21;
	s22 =	rddreg [dreg:$0x1c];
	[tilespmem:s30+$0x280] =	vst.add.f32.msk $0xffff, v2  }
0x226: {  	s6 =	sadd.s32 s6, s17;
	v2 =	vld [tilespmem:s0+$0x0]  }
0x227: {  	[tilespmem:s11+$0x10200] =	vst.add.f32.msk $0xffff, v0;
	s23 =	sadd.s32 $0x10, s6  }
0x228: {  	v0 =	vld [tilespmem:s14+$0x0];
	s24 =	sor.u32 $0x300, s23;
	s4 =	sadd.s32 s28, s22  }
0x229: {  	s25 =	sadd.s32 s15, s4;
	[tilespmem:s24+$0x10200] =	vst.add.f32.msk $0xffff, v1  }
0x22a: {  	s26 =	sor.u32 $0x300, s6;
	v1 =	vld [tilespmem:s25+$0x0]  }
0x22b: {  	s4 =	sadd.s32 s10, s4;
	[tilespmem:s26+$0x10200] =	vst.add.f32.msk $0xffff, v2  }
0x22c: {  	v2 =	vld [tilespmem:s4+$0x0];
	_ =	sdelay $0x1  }
0x22d: {  	s29 =	sadd.s32 s9, s7  }
0x22e: {  	[tilespmem:s31+$0x10200] =	vst.add.f32.msk $0xffff, v0;
	s0 =	sor.u32 $0x380, s23;
	s4 =	sshll.u32 s29, $0xB  }
0x22f: {  	s7 =	rddreg [dreg:$0x3];
	s6 =	sor.u32 $0x380, s6;
	[tilespmem:s0+$0x10200] =	vst.add.f32.msk $0xffff, v1;
	s0 =	sand.u32 $0x1FFFF000, s4  }
0x230: {  	s30 =	simm.s32 $0x10200;
	[tilespmem:s6+$0x10200] =	vst.add.f32.msk $0xffff, v2;
	s0 =	sadd.s32 s7, s0  }
0x231: {  	[hbm4b:s0+s5] =	stream.linear.scatter [tilespmem:s30], [sflag:$0x7], $0x4000, $0x38;
	[tilespmem:$0x18200] =	vst v63  }
0x232: {  	s0 =	simm.s32 @!p0 $0x6  }
0x233: {  	_ =	swait.ge @!p0 [sflag:s0], $0x4000  }
0x234: {  	s4 =	sld [smem:$0x7FB];
	_ =	sdelay $0x1  }
0x235: {  	[sflag:s0] =	ssyncset.done @!p0 $0x0  }
0x236: {  	[sflag:s0] =	ssyncadd.s32 @!p0 $0xFFFFC000;
	s4 =	sadd.s32 @!p0 s3, s4  }
0x237: {  	s8 =	simm.s32 $0x4;
	s0 =	sshll.u32 @!p0 s4, $0xB;
	s4 =	rddreg [dreg:$0x0]  }
0x238: {  	s6 =	simm.s32 @!p0 $0xC200;
	s0 =	sadd.s32 @!p0 s4, s0;
	s4 =	simm.s32 @!p0 $0x0  }
0x239: {  	[tilespmem:s6], [sflag:$0x2] =	stream.linear.gather @!p0 [hbm4b:s0+s4], $0x4000, $0x38;
	[tilespmem:$0x18200] =	vst v63  }
0x23a: {  	_ =	swait.ge [sflag:s8], $0x4000  }
0x23b: {  	s10 =	sshll.u32 s20, $0x3;
	[sflag:s8] =	ssyncset.done $0x0  }
0x23c: {  	s0 =	sand.u32 $0x1F0, s10;
	[sflag:s8] =	ssyncadd.s32 $0xFFFFC000  }
0x23d: {  	v0 =	vld [tilespmem:s0+$0x0];
	_ =	sdelay $0x4  }
0x23e: {  	v0 =	vxor.u32 $0x80000000, v0  }
0x23f: {  	v1 =	vsel vm8, $0x80000000, v0  }
0x240: {  	(xrf0) =	vmax.scan.msk.u32 $0xffff, v1;
	v1 =	vsel vm9, $0x80000000, v0  }
0x241: {  	(xrf0) =	vmax.scan.msk.u32 $0xffff, v1;
	v1 =	vsel vm10, $0x80000000, v0  }
0x242: {  	(xrf0) =	vmax.scan.msk.u32 $0xffff, v1;
	v1 =	vsel vm11, $0x80000000, v0  }
0x243: {  	(xrf0) =	vmax.scan.msk.u32 $0xffff, v1;
	v1 =	vsel vm12, $0x80000000, v0  }
0x244: {  	(xrf0) =	vmax.scan.msk.u32 $0xffff, v1;
	v1 =	vsel vm13, $0x80000000, v0;
	_ =	sdelay $0x2  }
0x245: {  	(xrf0) =	vmax.scan.msk.u32 $0xffff, v1;
	v1, _, _ =	vpop (xrf0)  }
0x246: {  	v2, _, _ =	vpop (xrf0);
	(v2sf) =	vpush v1, $0xF  }
0x247: {  	v1, _, _ =	vpop (xrf0);
	(v2sf) =	vpush v2, $0xF  }
0x248: {  	(v2sf) =	vpush v1, $0xF  }
0x249: {  	v2, _, _ =	vpop (xrf0)  }
0x24a: {  	(v2sf) =	vpush v2, $0xF  }
0x24b: {  	v1 =	vsel vm14, $0x80000000, v0;
	v2, _, _ =	vpop (xrf0)  }
0x24c: {  	(xrf0) =	vmax.scan.msk.u32 $0xffff, v1;
	(v2sf) =	vpush v2, $0xF;
	_ =	sdelay $0x2  }
0x24d: {  	v1, _, _ =	vpop (xrf0)  }
0x24e: {  	(v2sf) =	vpush v1, $0xF  }
0x24f: {  	v0 =	vsel vm15, $0x80000000, v0  }
0x250: {  	v1, _, _ =	vpop (xrf0);
	(xrf0) =	vmax.scan.msk.u32 $0xffff, v0;
	_ =	sdelay $0x2  }
0x251: {  	(v2sf) =	vpush v1, $0xF;
	s11 =	spop (v2sf)  }
0x252: {  	s12 =	spop (v2sf);
	s15 =	sshll.u32 s11, $0xB  }
0x253: {  	s0 =	sshll.u32 s11, $0x7;
	s13 =	spop (v2sf);
	s8 =	sand.u32 $0xFFFFC000, s15  }
0x254: {  	v0, _, _ =	vpop (xrf0);
	s0 =	sand.u32 $0x380, s0;
	s18 =	sshll.u32 s12, $0xB;
	s4 =	sshll.u32 s12, $0x7  }
0x255: {  	(v2sf) =	vpush v0, $0xF;
	s14 =	spop (v2sf);
	s0 =	sor.u32 s0, s8;
	s19 =	sand.u32 $0xFFFFC000, s18  }
0x256: {  	s4 =	sand.u32 $0x380, s4;
	s20 =	sshll.u32 s13, $0xB;
	s6 =	sshll.u32 s13, $0x7  }
0x257: {  	s16 =	spop (v2sf);
	s0 =	sadd.s32 $0x200, s0;
	s6 =	sand.u32 $0x380, s6  }
0x258: {  	s23 =	sshll.u32 s14, $0xB;
	s24 =	sshll.u32 s14, $0x7;
	[dreg:$0x1d] =	wrdreg s0  }
0x259: {  	s0 =	sor.u32 s4, s19;
	s4 =	sand.u32 $0xFFFFC000, s20;
	s25 =	sand.u32 $0xFFFFC000, s23  }
0x25a: {  	s26 =	sand.u32 $0x380, s24;
	s29 =	sshll.u32 s16, $0xB;
	s31 =	sshll.u32 s16, $0x7  }
0x25b: {  	s17 =	spop (v2sf);
	s0 =	sadd.s32 $0x200, s0;
	s22 =	sor.u32 s6, s4  }
0x25c: {  	s4 =	sand.u32 $0xFFFFC000, s29;
	s6 =	sand.u32 $0x380, s31;
	s19 =	rddreg [dreg:$0x1d]  }
0x25d: {  	[dreg:$0x1e] =	wrdreg s0;
	s0 =	sadd.s32 $0x200, s22;
	s6 =	sor.u32 s6, s4  }
0x25e: {  	s7 =	sshll.u32 s17, $0xB;
	s10 =	sshll.u32 s17, $0x7;
	[dreg:$0x1f] =	wrdreg s0  }
0x25f: {  	s0 =	sor.u32 s26, s25;
	s4 =	sand.u32 $0xFFFFC000, s7;
	s7 =	simm.s32 $0x0  }
0x260: {  	s0 =	sadd.s32 $0x200, s0;
	s28 =	sand.u32 $0x60, s7;
	s21 =	spop (v2sf)  }
0x261: {  	[smem:$0x7F1] =	sst s0;
	s0 =	sadd.s32 $0x200, s6;
	s6 =	sand.u32 $0x380, s10  }
0x262: {  	s11 =	sshll.u32 s21, $0xB;
	s8 =	sshll.u32 s21, $0x7;
	s4 =	sor.u32 s6, s4  }
0x263: {  	[smem:$0x7F2] =	sst s0;
	s12 =	sand.u32 $0xFFFFC000, s11;
	s13 =	sand.u32 $0x380, s8  }
0x264: {  	s14 =	sadd.s32 $0x200, s4;
	s15 =	sor.u32 s13, s12;
	s17 =	spop (v2sf)  }
0x265: {  	[smem:$0x7F3] =	sst s14;
	s18 =	sshll.u32 s17, $0xB;
	s4 =	sshll.u32 s17, $0x7  }
0x266: {  	s14 =	sand.u32 $0x3C00, s7;
	s0 =	sand.u32 $0xFFFFC000, s18;
	s4 =	sand.u32 $0x380, s4  }
0x267: {  	s16 =	sadd.s32 $0x200, s15;
	s20 =	sadd.s32 s14, s19;
	s0 =	sor.u32 s4, s0  }
0x268: {  	[smem:$0x7EF] =	sst s16;
	s17 =	sor.u32 $0x10, s28;
	s0 =	sadd.s32 $0x200, s0  }
0x269: {  	s21 =	sadd.s32 s17, s20;
	[smem:$0x7F0] =	sst s0  }
0x26a: {  	s22 =	sadd.s32 s28, s20;
	v0 =	vld [tilespmem:s21+$0x0]  }
0x26b: {  	v1 =	vld [tilespmem:s22+$0x0];
	_ =	sdelay $0x1  }
0x26c: {  	s24 =	sor.u32 $0x14200, s14  }
0x26d: {  	s23 =	rddreg [dreg:$0x1e];
	s11 =	sor.u32 s17, s24  }
0x26e: {  	s16 =	sor.u32 s28, s24;
	s4 =	sadd.s32 s14, s23;
	[tilespmem:s11+$0x0] =	vst.add.f32.msk $0xffff, v0  }
0x26f: {  	s25 =	sadd.s32 s17, s4;
	[tilespmem:s16+$0x0] =	vst.add.f32.msk $0xffff, v1  }
0x270: {  	s26 =	sadd.s32 s28, s4;
	v0 =	vld [tilespmem:s25+$0x0]  }
0x271: {  	v1 =	vld [tilespmem:s26+$0x0];
	_ =	sdelay $0x2  }
0x272: {  	s8 =	sor.u32 $0x80, s11;
	s29 =	rddreg [dreg:$0x1f]  }
0x273: {  	s12 =	sor.u32 $0x80, s16;
	s31 =	sadd.s32 s14, s29;
	[tilespmem:s8+$0x0] =	vst.add.f32.msk $0xffff, v0  }
0x274: {  	s10 =	sadd.s32 s17, s31;
	[tilespmem:s12+$0x0] =	vst.add.f32.msk $0xffff, v1  }
0x275: {  	s0 =	sadd.s32 s28, s31;
	v0 =	vld [tilespmem:s10+$0x0]  }
0x276: {  	v1 =	vld [tilespmem:s0+$0x0]  }
0x277: {  	s13 =	sld [smem:$0x7F1];
	_ =	sdelay $0x1  }
0x278: {  	s18 =	sor.u32 $0x100, s11  }
0x279: {  	s20 =	sor.u32 $0x100, s16;
	s15 =	sadd.s32 s14, s13;
	[tilespmem:s18+$0x0] =	vst.add.f32.msk $0xffff, v0  }
0x27a: {  	s19 =	sadd.s32 s17, s15;
	[tilespmem:s20+$0x0] =	vst.add.f32.msk $0xffff, v1  }
0x27b: {  	v0 =	vld [tilespmem:s19+$0x0]  }
0x27c: {  	s0 =	sadd.s32 s28, s15;
	s21 =	sld [smem:$0x7F2]  }
0x27d: {  	v1 =	vld [tilespmem:s0+$0x0];
	_ =	sdelay $0x1  }
0x27e: {  	s23 =	sor.u32 $0x180, s11;
	s22 =	sadd.s32 s14, s21  }
0x27f: {  	s6 =	simm.s32 $0x100;
	s25 =	rddreg [dreg:$0x1d];
	s24 =	sadd.s32 s17, s22;
	[tilespmem:s23+$0x0] =	vst.add.f32.msk $0xffff, v0  }
0x280: {  	s26 =	sor.u32 $0x180, s16;
	s15 =	simm.s32 $0x20;
	s20 =	sand.u32 $0x3C00, s6;
	v0 =	vld [tilespmem:s24+$0x0]  }
0x281: {  	s8 =	sand.u32 $0x60, s15;
	s31 =	sadd.s32 s20, s25;
	[tilespmem:s26+$0x0] =	vst.add.f32.msk $0xffff, v1  }
0x282: {  	s10 =	sor.u32 $0x10, s8;
	s0 =	sadd.s32 s28, s22;
	s29 =	sld [smem:$0x7F3]  }
0x283: {  	s13 =	sadd.s32 s10, s31;
	v1 =	vld [tilespmem:s0+$0x0]  }
0x284: {  	v2 =	vld [tilespmem:s13+$0x0]  }
0x285: {  	s18 =	sadd.s32 s8, s31;
	s0 =	sadd.s32 s14, s29;
	[tilespmem:s11+$0x200] =	vst.add.f32.msk $0xffff, v0  }
0x286: {  	s13 =	sadd.s32 s17, s0;
	v0 =	vld [tilespmem:s18+$0x0]  }
0x287: {  	s19 =	rddreg [dreg:$0x1e];
	s21 =	sor.u32 $0x14200, s20;
	v3 =	vld [tilespmem:s13+$0x0]  }
0x288: {  	s12 =	sadd.s32 s20, s19;
	s19 =	sor.u32 s10, s21;
	[tilespmem:s16+$0x200] =	vst.add.f32.msk $0xffff, v1  }
0x289: {  	[tilespmem:s19+$0x0] =	vst.add.f32.msk $0xffff, v2;
	s18 =	sadd.s32 s10, s12;
	s22 =	sld [smem:$0x7EF]  }
0x28a: {  	s26 =	sor.u32 s8, s21;
	v1 =	vld [tilespmem:s18+$0x0]  }
0x28b: {  	[tilespmem:s26+$0x0] =	vst.add.f32.msk $0xffff, v0  }
0x28c: {  	s23 =	sadd.s32 s8, s12;
	s4 =	sadd.s32 s14, s22;
	[tilespmem:s11+$0x280] =	vst.add.f32.msk $0xffff, v3  }
0x28d: {  	s13 =	sadd.s32 s17, s4;
	v0 =	vld [tilespmem:s23+$0x0]  }
0x28e: {  	s25 =	sand.u32 $0x3, s7;
	s24 =	rddreg [dreg:$0x1f];
	v2 =	vld [tilespmem:s13+$0x0]  }
0x28f: {  	s29 =	sor.u32 $0x80, s19;
	s11 =	sshll.u32 s25, $0x5;
	s12 =	sadd.s32 s20, s24  }
0x290: {  	[tilespmem:s29+$0x0] =	vst.add.f32.msk $0xffff, v1;
	s31 =	sld [smem:$0x7F0];
	s21 =	sadd.s32 $0x0, s11;
	s13 =	sadd.s32 s10, s12  }
0x291: {  	s22 =	sor.u32 $0x80, s26;
	s23 =	sadd.s32 $0x10, s21;
	v1 =	vld [tilespmem:s13+$0x0]  }
0x292: {  	s24 =	sor.u32 $0x300, s23;
	[tilespmem:s22+$0x0] =	vst.add.f32.msk $0xffff, v0  }
0x293: {  	s12 =	sadd.s32 s8, s12;
	s14 =	sadd.s32 s14, s31;
	[tilespmem:s24+$0x14200] =	vst.add.f32.msk $0xffff, v2;
	s25 =	sld [smem:$0x7F1]  }
0x294: {  	s29 =	sadd.s32 s17, s14;
	v0 =	vld [tilespmem:s12+$0x0]  }
0x295: {  	s0 =	sadd.s32 s28, s0;
	v2 =	vld [tilespmem:s29+$0x0]  }
0x296: {  	v3 =	vld [tilespmem:s0+$0x0];
	s13 =	sor.u32 $0x100, s19;
	s31 =	sadd.s32 s20, s25  }
0x297: {  	[tilespmem:s13+$0x0] =	vst.add.f32.msk $0xffff, v1;
	s17 =	sadd.s32 s10, s31  }
0x298: {  	s18 =	sor.u32 $0x100, s26;
	v1 =	vld [tilespmem:s17+$0x0]  }
0x299: {  	s11 =	sor.u32 $0x380, s23;
	[tilespmem:s18+$0x0] =	vst.add.f32.msk $0xffff, v0  }
0x29a: {  	s0 =	sadd.s32 s8, s31;
	[tilespmem:s11+$0x14200] =	vst.add.f32.msk $0xffff, v2;
	s22 =	sld [smem:$0x7F2]  }
0x29b: {  	v2 =	vld [tilespmem:s0+$0x0]  }
0x29c: {  	s23 =	sadd.s32 s28, s4;
	[tilespmem:s16+$0x280] =	vst.add.f32.msk $0xffff, v3  }
0x29d: {  	s25 =	sor.u32 $0x180, s19;
	v0 =	vld [tilespmem:s23+$0x0];
	s24 =	sadd.s32 s20, s22  }
0x29e: {  	[tilespmem:s25+$0x0] =	vst.add.f32.msk $0xffff, v1;
	s29 =	sadd.s32 s10, s24  }
0x29f: {  	s16 =	simm.s32 $0x2;
	s31 =	sor.u32 $0x180, s26;
	v1 =	vld [tilespmem:s29+$0x0]  }
0x2a0: {  	s14 =	sadd.s32 s28, s14;
	s28 =	sor.u32 $0x380, s21;
	s0 =	sadd.s32 s8, s24;
	[tilespmem:s31+$0x0] =	vst.add.f32.msk $0xffff, v2  }
0x2a1: {  	s17 =	simm.s32 $0x100;
	s11 =	sor.u32 $0x300, s21;
	s12 =	sld [smem:$0x7F3];
	v2 =	vld [tilespmem:s0+$0x0]  }
.LBB2_9:
0x2a2: {  	_ = 	snop  }
0x2a3: {  	[tilespmem:s11+$0x14200] =	vst.add.f32.msk $0xffff, v0  }
0x2a4: {  	s0 =	rddreg [dreg:$0x1d];
	s6 =	sadd.s32 $0x100, s6;
	v3 =	vld [tilespmem:s14+$0x0]  }
0x2a5: {  	s15 =	sadd.s32 $0x20, s15;
	s4 =	sadd.s32 s20, s12;
	s12 =	sand.u32 $0x3C00, s6;
	[tilespmem:s19+$0x200] =	vst.add.f32.msk $0xffff, v1  }
0x2a6: {  	s13 =	sand.u32 $0x60, s15;
	s21 =	sadd.s32 s10, s4;
	s0 =	sadd.s32 s12, s0;
	[tilespmem:s26+$0x200] =	vst.add.f32.msk $0xffff, v2  }
0x2a7: {  	s22 =	sadd.s32 s13, s0;
	v0 =	vld [tilespmem:s21+$0x0]  }
0x2a8: {  	s18 =	sor.u32 $0x10, s13;
	v2 =	vld [tilespmem:s22+$0x0]  }
0x2a9: {  	s23 =	sld [smem:$0x7EF];
	s0 =	sadd.s32 s18, s0  }
0x2aa: {  	s4 =	sadd.s32 s8, s4;
	v1 =	vld [tilespmem:s0+$0x0]  }
0x2ab: {  	s25 =	sor.u32 $0x14200, s12;
	v4 =	vld [tilespmem:s4+$0x0]  }
0x2ac: {  	s24 =	rddreg [dreg:$0x1e];
	s4 =	sadd.s32 s20, s23;
	s23 =	sor.u32 s13, s25;
	[tilespmem:s19+$0x280] =	vst.add.f32.msk $0xffff, v0  }
0x2ad: {  	s7 =	sadd.s32 $0x1, s7;
	s0 =	sadd.s32 s12, s24;
	s14 =	sadd.s32 s10, s4;
	[tilespmem:s23+$0x0] =	vst.add.f32.msk $0xffff, v2  }
0x2ae: {  	s21 =	sand.u32 $0x3, s7;
	s29 =	sadd.s32 s18, s0;
	s0 =	sadd.s32 s13, s0;
	v0 =	vld [tilespmem:s14+$0x0]  }
0x2af: {  	s21 =	sshll.u32 s21, $0x5;
	s19 =	sor.u32 s18, s25;
	v2 =	vld [tilespmem:s0+$0x0]  }
0x2b0: {  	s22 =	sld [smem:$0x7F0];
	s17 =	sadd.s32 s21, s17;
	[tilespmem:s19+$0x0] =	vst.add.f32.msk $0xffff, v1  }
0x2b1: {  	s24 =	sadd.s32 $0x10, s17;
	v1 =	vld [tilespmem:s29+$0x0]  }
0x2b2: {  	s25 =	sor.u32 $0x300, s24  }
0x2b3: {  	s21 =	sor.u32 $0x80, s23;
	s14 =	sadd.s32 s20, s22;
	[tilespmem:s25+$0x14200] =	vst.add.f32.msk $0xffff, v0  }
0x2b4: {  	s31 =	rddreg [dreg:$0x1f];
	s29 =	sadd.s32 s10, s14;
	[tilespmem:s21+$0x0] =	vst.add.f32.msk $0xffff, v2  }
0x2b5: {  	s31 =	sadd.s32 s12, s31;
	s25 =	sor.u32 $0x80, s19;
	v0 =	vld [tilespmem:s29+$0x0]  }
0x2b6: {  	s20 =	sadd.s32 s18, s31;
	[tilespmem:s25+$0x0] =	vst.add.f32.msk $0xffff, v1  }
0x2b7: {  	s29 =	sadd.s32 s13, s31;
	v1 =	vld [tilespmem:s20+$0x0]  }
0x2b8: {  	s21 =	sld [smem:$0x7F1];
	v2 =	vld [tilespmem:s29+$0x0];
	_ =	sdelay $0x1  }
0x2b9: {  	s31 =	sor.u32 $0x380, s24;
	s20 =	smov.u32 s12;
	[tilespmem:s26+$0x280] =	vst.add.f32.msk $0xffff, v4  }
0x2ba: {  	s10 =	smov.u32 s18;
	s18 =	sadd.s32 s20, s21;
	s21 =	sor.u32 $0x100, s19;
	[tilespmem:s31+$0x14200] =	vst.add.f32.msk $0xffff, v0  }
0x2bb: {  	s4 =	sadd.s32 s8, s4;
	s0 =	sor.u32 $0x100, s23;
	[tilespmem:s21+$0x0] =	vst.add.f32.msk $0xffff, v1  }
0x2bc: {  	s14 =	sadd.s32 s8, s14;
	s8 =	smov.u32 s13;
	s12 =	sadd.s32 s10, s18;
	[tilespmem:s0+$0x0] =	vst.add.f32.msk $0xffff, v2  }
0x2bd: {  	s22 =	sor.u32 $0x180, s23;
	s26 =	smov.u32 s23;
	s23 =	sadd.s32 s8, s18;
	v1 =	vld [tilespmem:s12+$0x0]  }
0x2be: {  	v2 =	vld [tilespmem:s23+$0x0]  }
0x2bf: {  	s16 =	sadd.s32 $0x2, s16;
	s24 =	sld [smem:$0x7F2]  }
0x2c0: {  	p1 =	slt.u32 s16, $0x7E;
	v0 =	vld [tilespmem:s4+$0x0]  }
.Ltmp5:
0x2c1: {  	s29 =	sor.u32 $0x180, s19;
	[tilespmem:s28+$0x14200] =	vst.add.f32.msk $0xffff, v3;
	(pc) =	sbr.rel @p1 .LBB2_9-.Ltmp5, $4  }
0x2c2: {  	s0 =	sadd.s32 s20, s24;
	[tilespmem:s29+$0x0] =	vst.add.f32.msk $0xffff, v1  }
0x2c3: {  	s31 =	sadd.s32 s8, s0;
	s0 =	sadd.s32 s10, s0;
	[tilespmem:s22+$0x0] =	vst.add.f32.msk $0xffff, v2  }
0x2c4: {  	s11 =	sor.u32 $0x300, s17;
	s25 =	sor.u32 $0x380, s17;
	v1 =	vld [tilespmem:s0+$0x0]  }
0x2c5: {  	s17 =	smov.u32 s6;
	s28 =	smov.u32 s25;
	s12 =	sld [smem:$0x7F3];
	v2 =	vld [tilespmem:s31+$0x0]  }
0x2c6: {  	_ =	sdelay $0x1  }
0x2c7: {  	s0 =	sadd.s32 s20, s12  }
0x2c8: {  	[tilespmem:s19+$0x200] =	vst.add.f32.msk $0xffff, v1;
	s4 =	sadd.s32 s10, s0  }
0x2c9: {  	v1 =	vld [tilespmem:s4+$0x0]  }
0x2ca: {  	[tilespmem:s26+$0x200] =	vst.add.f32.msk $0xffff, v2  }
0x2cb: {  	s0 =	sadd.s32 s8, s0;
	s18 =	sld [smem:$0x7EF]  }
0x2cc: {  	v2 =	vld [tilespmem:s0+$0x0];
	_ =	sdelay $0x1  }
0x2cd: {  	s21 =	sadd.s32 s20, s18  }
0x2ce: {  	s6 =	sadd.s32 $0x1, s7;
	[tilespmem:s19+$0x280] =	vst.add.f32.msk $0xffff, v1;
	s4 =	sadd.s32 s10, s21  }
0x2cf: {  	s6 =	sand.u32 $0x3, s6;
	v1 =	vld [tilespmem:s4+$0x0]  }
0x2d0: {  	s6 =	sshll.u32 s6, $0x5;
	s0 =	sadd.s32 s8, s21;
	s22 =	sld [smem:$0x7F0];
	[tilespmem:s26+$0x280] =	vst.add.f32.msk $0xffff, v2  }
0x2d1: {  	s6 =	sadd.s32 s6, s17;
	v2 =	vld [tilespmem:s0+$0x0]  }
0x2d2: {  	[tilespmem:s11+$0x14200] =	vst.add.f32.msk $0xffff, v0;
	s23 =	sadd.s32 $0x10, s6  }
0x2d3: {  	v0 =	vld [tilespmem:s14+$0x0];
	s24 =	sor.u32 $0x300, s23;
	s4 =	sadd.s32 s20, s22  }
0x2d4: {  	s25 =	sadd.s32 s10, s4;
	[tilespmem:s24+$0x14200] =	vst.add.f32.msk $0xffff, v1  }
0x2d5: {  	s26 =	sor.u32 $0x300, s6;
	v1 =	vld [tilespmem:s25+$0x0]  }
0x2d6: {  	s4 =	sadd.s32 s8, s4;
	[tilespmem:s26+$0x14200] =	vst.add.f32.msk $0xffff, v2  }
0x2d7: {  	v2 =	vld [tilespmem:s4+$0x0];
	_ =	sdelay $0x1  }
.Ltmp6:
0x2d8: {  	_ = 	snop;
	(pc) =	sbr.rel @p0 .LBB2_12-.Ltmp6, $4  }
0x2d9: {  	[tilespmem:s28+$0x14200] =	vst.add.f32.msk $0xffff, v0;
	s0 =	sor.u32 $0x380, s23  }
0x2da: {  	s31 =	rddreg [dreg:$0x3];
	s29 =	sor.u32 $0x380, s6;
	[tilespmem:s0+$0x14200] =	vst.add.f32.msk $0xffff, v1  }
0x2db: {  	s25 =	simm.s32 $0x14200;
	s0 =	sadd.s32 s31, s2;
	[tilespmem:s29+$0x14200] =	vst.add.f32.msk $0xffff, v2  }
0x2dc: {  	[hbm4b:s0+s5] =	stream.linear.scatter [tilespmem:s25], [sflag:$0x8], $0x4000, $0x38;
	[tilespmem:$0x18200] =	vst v63  }
0x2dd: {  	s0 =	sld [smem:$0x7FC]  }
0x2de: {  	s2 =	simm.s32 $0x7  }
0x2df: {  	_ =	swait.ge [sflag:s2], $0x4000  }
.Ltmp7:
0x2e0: {  	[sflag:s2] =	ssyncset.done $0x0;
	s0 =	sadd.s32 s3, s0;
	(pc) =	sbr.rel .LBB2_2-.Ltmp7, $4  }
0x2e1: {  	[sflag:s2] =	ssyncadd.s32 $0xFFFFC000;
	s0 =	sshll.u32 s0, $0xB  }
0x2e2: {  	s2 =	rddreg [dreg:$0x0];
	s0 =	sand.u32 $0x1FFFF000, s0  }
0x2e3: {  	s1 =	sadd.s32 $0x1, s1;
	s0 =	sadd.s32 s2, s0  }
0x2e4: {  	[tilespmem:s30], [sflag:$0x3] =	stream.linear.gather [hbm4b:s0+s5], $0x4000, $0x38;
	[tilespmem:$0x18200] =	vst v63  }
.LBB2_13:
0x2e5: {  	_ =	sfence.sel $0x180000  }
0x2e6: {  	[bflag:$0x0] =	sbarrier.arrive $0xFFFF  }
0x2e7: {  	_ =	strace $0x90000047  }
0x2e8: {  	s0 =	stileid.u32;
	[bflag:$0x2] =	sbarrier.arrive $0xFFFF  }
0x2e9: {  	p0 =	sne.s32 s0, $0x0;
	s0 =	rddreg [dreg:$0x4]  }
0x2ea: {  	s0 =	sadd.s32 @!p0 $0x100000, s0  }
0x2eb: {  	[sflag:s0] =	ssyncadd.tile.s32 @!p0 $0x1;
	_ =	shalt  }
.Lfunc_end2:
_tile_overlayer_lowered:
.L_overlay_start_2:
0x2ec: {  	(tag) =	ssettag $0x2  }
0x2ed: {  	s0 =	rddreg [dreg:$0x0];
	s2 =	stileid.u32  }
0x2ee: {  	s1 =	rddreg [dreg:$0x1];
	p0 =	sne.s32 s2, $0x0  }
0x2ef: {  	s3 =	rddreg [dreg:$0x2];
	[bflag:$0x3] =	sbarrier.arrive $0xFFFF;
	s2 =	simm.s32 @!p0 $0x1C09  }
0x2f0: {  	[timem:s3], [sflag:s2] =	dma.local @!p0 [hbm:s0], s1  }
0x2f1: {  	s0 =	simm.s32 @!p0 $0x9  }
0x2f2: {  	_ =	swait.ge @!p0 [sflag:s0], s1  }
0x2f3: {  	s1 =	ssub.s32 @!p0 $0x0, s1;
	[sflag:s0] =	ssyncset.done @!p0 $0x0  }
0x2f4: {  	[sflag:s0] =	ssyncadd.s32 @!p0 s1  }
0x2f5: {  	[bflag:$0x3] =	sbarrier.arrive $0xFFFF  }
0x2f6: {  	_ =	shalt  }

</sc_bundles>
